<compile_context>
chip_gen: v7x
topology: tpu7x:2x2x1
jax: 0.10.2.dev20260603
libtpu: 0.0.44.dev20260713+nightly
codegen_flags: <defaults>
</compile_context>

<pallas_src>
import functools

import jax
import jax.numpy as jnp
from jax import lax
from jax.experimental import pallas as pl
from jax.experimental.pallas import tpu as pltpu
from jax.experimental.pallas import tpu_sc as plsc

N = 4096
E = 65536
DX = 512
H = 1024
CE = 5
CY = 10

NC = 2
NS = 16
NW = NC * NS



def _pack_bf16_pair(o):
    u = lax.bitcast_convert_type(o, jnp.uint32)
    b = (u + jnp.uint32(0x7FFF) + ((u >> 16) & jnp.uint32(1))) >> 16
    lo = b[:, :H // 2]
    hi = b[:, H // 2:]
    return lax.bitcast_convert_type(lo | (hi << 16), jnp.int32)


def _unpack_bf16_pair(gi):
    g = lax.bitcast_convert_type(gi, jnp.uint32)
    lo = lax.bitcast_convert_type(g << 16, jnp.float32)
    hi = lax.bitcast_convert_type(g & jnp.uint32(0xFFFF0000), jnp.float32)
    return jnp.concatenate([lo, hi], axis=1)


def _proj_body(x_ref, w1_ref, w2_ref, o1_ref, o2_ref):
    x = x_ref[...]
    o1_ref[...] = _pack_bf16_pair(
        jnp.dot(x, w1_ref[...], preferred_element_type=jnp.float32))
    o2_ref[...] = _pack_bf16_pair(
        jnp.dot(x, w2_ref[...], preferred_element_type=jnp.float32))


def _project(X, W1, W2):
    BM = 512
    return pl.pallas_call(
        _proj_body,
        grid=(N // BM,),
        in_specs=[
            pl.BlockSpec((BM, DX), lambda i: (i, 0)),
            pl.BlockSpec((DX, H), lambda i: (0, 0)),
            pl.BlockSpec((DX, H), lambda i: (0, 0)),
        ],
        out_specs=[
            pl.BlockSpec((BM, H // 2), lambda i: (i, 0)),
            pl.BlockSpec((BM, H // 2), lambda i: (i, 0)),
        ],
        out_shape=[jax.ShapeDtypeStruct((N, H // 2), jnp.int32)] * 2,
    )(X, W1, W2)



_CH = 32
_HW = H // 2


def _sc_gather(T1, T2, src, dst):
    mesh = plsc.VectorSubcoreMesh(core_axis_name="c", subcore_axis_name="s")
    bpw = E // NW
    nch = bpw // _CH

    @functools.partial(
        pl.kernel,
        out_type=[jax.ShapeDtypeStruct((E, _HW), jnp.int32)] * 2,
        mesh=mesh,
        scratch_types=[
            pltpu.VMEM((bpw,), jnp.int32),
            pltpu.VMEM((bpw,), jnp.int32),
            pltpu.VMEM((_CH, _HW), jnp.int32),
            pltpu.VMEM((_CH, _HW), jnp.int32),
            pltpu.VMEM((_CH, _HW), jnp.int32),
            pltpu.VMEM((_CH, _HW), jnp.int32),
            pltpu.SemaphoreType.DMA,
            pltpu.SemaphoreType.DMA,
            pltpu.SemaphoreType.DMA,
            pltpu.SemaphoreType.DMA,
        ],
    )
    def gather_kernel(t1, t2, s_h, d_h, g1, g2, s_all, d_all,
                      r1a, r2a, r1b, r2b, m1a, m2a, m1b, m2b):
        wid = lax.axis_index("s") * NC + lax.axis_index("c")
        base = wid * bpw
        pltpu.sync_copy(s_h.at[pl.ds(base, bpw)], s_all)
        pltpu.sync_copy(d_h.at[pl.ds(base, bpw)], d_all)

        def issue(c, r1, r2, m1, m2):
            pltpu.async_copy(t1.at[s_all.at[pl.ds(c * _CH, _CH)]], r1, m1)
            pltpu.async_copy(t2.at[d_all.at[pl.ds(c * _CH, _CH)]], r2, m2)

        def wait(c, r1, r2, m1, m2):
            i1 = s_all.at[pl.ds(c * _CH, _CH)]
            i2 = d_all.at[pl.ds(c * _CH, _CH)]
            pltpu.make_async_copy(t1.at[i1], r1, m1).wait()
            pltpu.make_async_copy(t2.at[i2], r2, m2).wait()

        def wout(c, r1, r2):
            off = base + c * _CH
            pltpu.sync_copy(r1, g1.at[pl.ds(off, _CH)])
            pltpu.sync_copy(r2, g2.at[pl.ds(off, _CH)])

        issue(0, r1a, r2a, m1a, m2a)

        def body(c2, carry):
            cA = 2 * c2
            cB = cA + 1
            issue(cB, r1b, r2b, m1b, m2b)
            wait(cA, r1a, r2a, m1a, m2a)
            wout(cA, r1a, r2a)

            @pl.when(cA + 2 < nch)
            def _():
                issue(cA + 2, r1a, r2a, m1a, m2a)

            wait(cB, r1b, r2b, m1b, m2b)
            wout(cB, r1b, r2b)
            return carry

        lax.fori_loop(0, nch // 2, body, 0)

    return gather_kernel(T1, T2, src, dst)



_TE = 2048


def _edge_head(G1, G2, At, tf, W5, W6, be, Wo, bo, gum, eoh):
    grid = (E // _TE,)

    def body(g1_ref, g2_ref, at_ref, t_ref, w5_ref, w6_ref, be_ref, wo_ref,
             bo_ref, gum_ref, eoh_ref, b_ref, le_ref):
        i = pl.program_id(0)
        sm = jnp.dot(at_ref[...], w5_ref[...],
                     preferred_element_type=jnp.float32)
        sm = sm + t_ref[...] * w6_ref[...]
        g = _unpack_bf16_pair(g1_ref[...]) + _unpack_bf16_pair(g2_ref[...])
        h = jnp.maximum(g + sm + be_ref[...], 0.0)
        logit = jnp.dot(h, wo_ref[...],
                        preferred_element_type=jnp.float32) + bo_ref[...]
        col = lax.broadcasted_iota(jnp.int32, (_TE, CE), 1)
        z = logit + gum_ref[...]
        zmax = jnp.max(z, axis=1, keepdims=True)
        samp = jnp.min(jnp.where(z >= zmax, col, CE), axis=1)
        b_ref[...] = (samp != 0).astype(jnp.float32)[None, None, :]
        eoh = eoh_ref[...]
        emax = jnp.max(eoh, axis=1, keepdims=True)
        te_idx = jnp.min(jnp.where(eoh >= emax, col, CE), axis=1)
        lmax = jnp.max(logit, axis=1, keepdims=True)
        lse = jnp.log(jnp.sum(jnp.exp(logit - lmax), axis=1)) + lmax[:, 0]
        lp_t = jnp.sum(jnp.where(col == te_idx[:, None], logit, 0.0),
                       axis=1) - lse
        part = -jnp.sum(lp_t) * (1.0 / E)

        @pl.when(i == 0)
        def _():
            le_ref[...] = jnp.zeros_like(le_ref)

        le_ref[...] += part[None, None]

    return pl.pallas_call(
        body,
        grid=grid,
        in_specs=[
            pl.BlockSpec((_TE, _HW), lambda i: (i, 0)),
            pl.BlockSpec((_TE, _HW), lambda i: (i, 0)),
            pl.BlockSpec((_TE, CE), lambda i: (i, 0)),
            pl.BlockSpec((_TE, 1), lambda i: (i, 0)),
            pl.BlockSpec((CE, H), lambda i: (0, 0)),
            pl.BlockSpec((1, H), lambda i: (0, 0)),
            pl.BlockSpec((1, H), lambda i: (0, 0)),
            pl.BlockSpec((H, CE), lambda i: (0, 0)),
            pl.BlockSpec((1, CE), lambda i: (0, 0)),
            pl.BlockSpec((_TE, CE), lambda i: (i, 0)),
            pl.BlockSpec((_TE, CE), lambda i: (i, 0)),
        ],
        out_specs=[
            pl.BlockSpec((1, 1, _TE), lambda i: (i, 0, 0)),
            pl.BlockSpec((1, 1), lambda i: (0, 0)),
        ],
        out_shape=[
            jax.ShapeDtypeStruct((E // _TE, 1, _TE), jnp.float32),
            jax.ShapeDtypeStruct((1, 1), jnp.float32),
        ],
    )(G1, G2, At, tf, W5, W6, be, Wo, bo, gum, eoh)



_ZCH = 16384
_SCB = 128
NPAD = N + 32


def _sc_scatter(src, dst, bvals):
    mesh = plsc.VectorSubcoreMesh(core_axis_name="c", subcore_axis_name="s")
    epw = E // NS
    n_sc = epw // _SCB
    half_words = (N // 2) * N

    @functools.partial(
        pl.kernel,
        out_type=jax.ShapeDtypeStruct((NPAD * N,), jnp.float32),
        mesh=mesh,
        scratch_types=[
            pltpu.VMEM((_ZCH,), jnp.float32),
            pltpu.VMEM((epw,), jnp.int32),
            pltpu.VMEM((epw,), jnp.int32),
            pltpu.VMEM((epw,), jnp.float32),
            pltpu.VMEM((n_sc, _SCB), jnp.int32),
            pltpu.VMEM((n_sc, _SCB), jnp.int32),
            pltpu.SemaphoreType.DMA,
            pltpu.SemaphoreType.DMA,
        ],
    )
    def scatter_kernel(s_h, d_h, b_h, a_h, z_v, s_v, d_v, v_v, i1_v, i2_v,
                       sem1, sem2):
        cid = lax.axis_index("c")
        sid = lax.axis_index("s")

        def zb(i, carry):
            z_v[pl.ds(i * 16, 16)] = jnp.zeros((16,), jnp.float32)
            return carry

        lax.fori_loop(0, _ZCH // 16, zb, 0)
        words = half_words // NS
        zbase = cid * half_words + sid * words

        def zc(i, carry):
            pltpu.sync_copy(z_v, a_h.at[pl.ds(zbase + i * _ZCH, _ZCH)])
            return carry

        lax.fori_loop(0, words // _ZCH, zc, 0)
        tzbase = N * N + cid * (16 * N) + sid * N
        pltpu.sync_copy(z_v.at[pl.ds(0, N)], a_h.at[pl.ds(tzbase, N)])

        plsc.subcore_barrier()

        ebase = sid * epw
        pltpu.sync_copy(s_h.at[pl.ds(ebase, epw)], s_v)
        pltpu.sync_copy(d_h.at[pl.ds(ebase, epw)], d_v)
        pltpu.sync_copy(b_h.at[pl.ds(ebase, epw)], v_v)

        lo = cid * (N // 2)
        hi = lo + (N // 2)
        trash = N * N + cid * (16 * N)
        lane = lax.iota(jnp.int32, 16)

        def ixrow(j, carry):
            def ix(i, c2):
                sv = s_v[pl.ds(j * _SCB + i * 16, 16)]
                dv = d_v[pl.ds(j * _SCB + i * 16, 16)]
                own1 = jnp.logical_and(dv >= lo, dv < hi)
                own2 = jnp.logical_and(sv >= lo, sv < hi)
                base_off = ebase + j * _SCB + i * 16 + lane
                tr1 = trash + jnp.bitwise_and(base_off, 16 * N - 1)
                tr2 = trash + jnp.bitwise_and(base_off + 8 * N, 16 * N - 1)
                i1_v[j, pl.ds(i * 16, 16)] = jnp.where(
                    own1, dv * N + sv, tr1)
                i2_v[j, pl.ds(i * 16, 16)] = jnp.where(
                    own2, sv * N + dv, tr2)
                return c2

            lax.fori_loop(0, _SCB // 16, ix, 0)
            return carry

        lax.fori_loop(0, n_sc, ixrow, 0)

        def sc(j, carry):
            vseg = v_v.at[pl.ds(j * _SCB, _SCB)]
            cp1 = pltpu.async_copy(vseg, a_h.at[i1_v.at[j]], sem1)
            cp2 = pltpu.async_copy(vseg, a_h.at[i2_v.at[j]], sem2)
            cp1.wait()
            cp2.wait()
            return carry

        lax.fori_loop(0, n_sc, sc, 0)

    return scatter_kernel(src, dst, bvals)



_BM5 = 256


def _classifier(A, X, Wc1, Wc2, Y3):
    def body(a_ref, x_ref, w1_ref, w2_ref, y_ref, ly_ref):
        i = pl.program_id(0)
        a = a_ref[...]
        row = lax.broadcasted_iota(jnp.int32, (_BM5, N), 0) + i * _BM5
        coln = lax.broadcasted_iota(jnp.int32, (_BM5, N), 1)
        a = jnp.maximum(a, (row == coln).astype(jnp.float32))
        agg = jnp.dot(a.astype(jnp.bfloat16),
                      x_ref[...].astype(jnp.bfloat16),
                      preferred_element_type=jnp.float32)
        hy = jnp.maximum(
            jnp.dot(agg.astype(jnp.bfloat16),
                    w1_ref[...].astype(jnp.bfloat16),
                    preferred_element_type=jnp.float32),
            0.0)
        ly = jnp.dot(hy.astype(jnp.bfloat16),
                     w2_ref[...].astype(jnp.bfloat16),
                     preferred_element_type=jnp.float32)
        yb = y_ref[0, 0, :]
        lmax = jnp.max(ly, axis=1, keepdims=True)
        lse = jnp.log(jnp.sum(jnp.exp(ly - lmax), axis=1)) + lmax[:, 0]
        c10 = lax.broadcasted_iota(jnp.int32, (_BM5, CY), 1)
        lp_t = jnp.sum(jnp.where(c10 == yb[:, None], ly, 0.0), axis=1) - lse
        part = -jnp.sum(lp_t) * (1.0 / N)

        @pl.when(i == 0)
        def _():
            ly_ref[...] = jnp.zeros_like(ly_ref)

        ly_ref[...] += part[None, None]

    return pl.pallas_call(
        body,
        grid=(N // _BM5,),
        in_specs=[
            pl.BlockSpec((_BM5, N), lambda i: (i, 0)),
            pl.BlockSpec((N, DX), lambda i: (0, 0)),
            pl.BlockSpec((DX, H), lambda i: (0, 0)),
            pl.BlockSpec((H, CY), lambda i: (0, 0)),
            pl.BlockSpec((1, 1, _BM5), lambda i: (i, 0, 0)),
        ],
        out_specs=pl.BlockSpec((1, 1), lambda i: (0, 0)),
        out_shape=jax.ShapeDtypeStruct((1, 1), jnp.float32),
    )(A, X, Wc1, Wc2, Y3)



def kernel(X_one_hot_2d, A_t, Y, t_float_E, batch_src, batch_dst,
           batch_E_one_hot, W_e, b_e, W_o, b_o, Wc1, Wc2):
    src = batch_src.astype(jnp.int32)
    dst = batch_dst.astype(jnp.int32)
    W1 = W_e[:DX]
    W2 = W_e[DX:2 * DX]
    W5 = W_e[2 * DX:2 * DX + CE]
    W6 = W_e[2 * DX + CE:].reshape(1, H)
    be = b_e.reshape(1, H)
    bo = b_o.reshape(1, CE)
    gum = jax.random.gumbel(jax.random.key(42), (E, CE), jnp.float32)

    T1, T2 = _project(X_one_hot_2d, W1, W2)
    G1, G2 = _sc_gather(T1, T2, src, dst)
    bflag3, loss_e = _edge_head(G1, G2, A_t, t_float_E, W5, W6, be, W_o, bo,
                                gum, batch_E_one_hot)
    bflag = bflag3.reshape(E)
    A_flat = _sc_scatter(src, dst, bflag)
    A = A_flat.reshape(NPAD, N)
    Y3 = Y.astype(jnp.int32).reshape(N // _BM5, 1, _BM5)
    loss_y = _classifier(A, X_one_hot_2d, Wc1, Wc2, Y3)
    return loss_e[0, 0], loss_y[0, 0]

# --- scband reference (transcript-rebuilt; emitter-appended) ---
"""Pipeline reference for scband-model-async-wout-x-19396072308968 (READ-ONLY COPY).

The authoritative reference and input builder live on the scoring server;
editing this copy changes nothing except your own understanding.
"""

import jax, jax.numpy as jnp
import numpy as np

N = 4096
E = 65536
D_X = 512
H = 1024
C_E = 5
C_Y = 10


def setup_inputs(seed: int = 0) -> dict:
    key = jax.random.key(seed)
    ks = jax.random.split(key, 14)
    X_one_hot_2d = jax.random.normal(ks[0], (N, D_X), dtype=jnp.float32)
    A_t = jax.random.uniform(ks[1], (E, C_E), dtype=jnp.float32)
    Y = jax.random.randint(ks[2], (N,), 0, C_Y)
    t_float_E = jax.random.uniform(ks[3], (E, 1), dtype=jnp.float32)
    batch_src = jax.random.randint(ks[4], (E,), 0, N)
    batch_dst = jax.random.randint(ks[5], (E,), 0, N)
    batch_E_one_hot = jax.random.uniform(ks[6], (E, C_E), dtype=jnp.float32)
    # graph_encoder (GNNAsymm_WoutX stand-in) parameters
    W_e = jax.random.normal(ks[7], (2 * D_X + C_E + 1, H), dtype=jnp.float32) * 0.02
    b_e = jnp.zeros((H,), dtype=jnp.float32)
    W_o = jax.random.normal(ks[8], (H, C_E), dtype=jnp.float32) * 0.02
    b_o = jnp.zeros((C_E,), dtype=jnp.float32)
    # classifier (GNN) parameters
    Wc1 = jax.random.normal(ks[9], (D_X, H), dtype=jnp.float32) * 0.02
    Wc2 = jax.random.normal(ks[10], (H, C_Y), dtype=jnp.float32) * 0.02
    return {
        "X_one_hot_2d": X_one_hot_2d, "A_t": A_t, "Y": Y,
        "t_float_E": t_float_E, "batch_src": batch_src, "batch_dst": batch_dst,
        "batch_E_one_hot": batch_E_one_hot,
        "W_e": W_e, "b_e": b_e, "W_o": W_o, "b_o": b_o,
        "Wc1": Wc1, "Wc2": Wc2,
    }


def reference(X_one_hot_2d, A_t, Y, t_float_E, batch_src, batch_dst,
              batch_E_one_hot, W_e, b_e, W_o, b_o, Wc1, Wc2):
    # ---- graph_encoder: per-edge logits over edge classes ----
    feat = jnp.concatenate(
        [X_one_hot_2d[batch_src], X_one_hot_2d[batch_dst], A_t, t_float_E], axis=-1)
    h = jax.nn.relu(feat @ W_e + b_e)
    logit_E = h @ W_o + b_o  # [E, C_E]

    # ---- LossE: true_E = argmax(one_hot); cross entropy (mean) ----
    true_E = jnp.argmax(batch_E_one_hot, axis=-1)
    logp_E = jax.nn.log_softmax(logit_E, axis=-1)
    loss_E = -jnp.mean(jnp.take_along_axis(logp_E, true_E[:, None], axis=1))

    # ---- LossY_WoutX: sample edge types, build dense adjacency, classify ----
    # multinomial over softmax(logit_E) == categorical over logit_E
    E_ = jax.random.categorical(jax.random.key(42), logit_E, axis=-1)
    E_i32 = E_.astype(jnp.int32)
    Emat = jnp.zeros((N, N), dtype=jnp.int32)
    Emat = Emat.at[batch_dst, batch_src].set(E_i32)
    Emat = Emat.at[batch_src, batch_dst].set(E_i32)
    Emat = Emat + jnp.eye(N, dtype=jnp.int32)
    A = (Emat > 0).astype(jnp.float32)  # dense adjacency from E.nonzero()

    # classifier: 1-layer GCN aggregation + MLP head (dense-adjacency form)
    agg = A @ X_one_hot_2d
    hy = jax.nn.relu(agg @ Wc1)
    logit_Y = hy @ Wc2  # [N, C_Y]
    logp_Y = jax.nn.log_softmax(logit_Y, axis=-1)
    loss_Y = -jnp.mean(jnp.take_along_axis(logp_Y, Y[:, None], axis=1))

    return (loss_E, loss_Y)

if __name__ == "__main__":
    import jax
    _d = setup_inputs()
    print(jax.jit(kernel)(*tuple(_d.values())))

</pallas_src>

<mosaic_0001>
#map = affine_map<(d0, d1) -> (0)>
module attributes {stable_mosaic.version = 14 : i64} {
  func.func @scatter_kernel(%arg0: i32, %arg1: i32, %arg2: memref<65536xi32, #tpu.memory_space<hbm>>, %arg3: memref<65536xi32, #tpu.memory_space<hbm>>, %arg4: memref<65536xf32, #tpu.memory_space<hbm>>, %arg5: memref<16908288xf32, #tpu.memory_space<hbm>>, %arg6: memref<16384xf32, #tpu.memory_space<vmem>>, %arg7: memref<4096xi32, #tpu.memory_space<vmem>>, %arg8: memref<4096xi32, #tpu.memory_space<vmem>>, %arg9: memref<4096xf32, #tpu.memory_space<vmem>>, %arg10: memref<32x128xi32, #tpu.memory_space<vmem>>, %arg11: memref<32x128xi32, #tpu.memory_space<vmem>>, %arg12: memref<!tpu.dma_semaphore, #tpu.memory_space<semaphore_mem>>, %arg13: memref<!tpu.dma_semaphore, #tpu.memory_space<semaphore_mem>>) attributes {dimension_semantics = [#tpu.dimension_semantics<core_parallel>, #tpu.dimension_semantics<subcore_parallel>], iteration_bounds = array<i64: 2, 16>, scalar_prefetch = 0 : i64, scratch_operands = 8 : i64, tpu.core_type = #tpu.core_type<sc_vector_subcore>, window_params = [{transform_indices = #map}, {transform_indices = #map}, {transform_indices = #map}, {transform_indices = #map}]} {
    %scan3A = arith.constant 0 : i32
    %scan3A_0 = arith.constant 0 : i32
    %scan3A_1 = arith.constant 1024 : i32
    %scan3A_2 = arith.addi %scan3A_0, %scan3A_1 : i32
    %scan3A_3 = arith.constant 1 : i32
    scf.for %scan3A_43 = %scan3A_0 to %scan3A_2 step %scan3A_3  : i32 {
      %broadcast_in_dim3A = arith.constant 0.000000e+00 : f32
      %broadcast_in_dim3A_44 = vector.broadcast %broadcast_in_dim3A : f32 to vector<16xf32>
      %mul3A_45 = arith.constant 16 : i32
      %mul3A_46 = arith.muli %scan3A_43, %mul3A_45 : i32
      %swap3A = arith.index_cast %mul3A_46 : i32 to index
      %swap3A_47 = tpu.vector_load %arg6[%swap3A] {strides = array<i32>} : memref<16384xf32, #tpu.memory_space<vmem>>, vector<16xf32>,
      %swap3A_48 = vector.shape_cast %swap3A_47 : vector<16xf32> to vector<16xf32>
      %swap3A_49 = vector.shape_cast %broadcast_in_dim3A_44 : vector<16xf32> to vector<16xf32>
      tpu.vector_store %arg6[%swap3A], %swap3A_49 {strides = array<i32>} : memref<16384xf32, #tpu.memory_space<vmem>>, vector<16xf32>,
    }
    %scan3A_4 = arith.constant 1024 : i32
    %mul3A = arith.constant 8388608 : i32
    %mul3A_5 = arith.muli %arg0, %mul3A : i32
    %mul3A_6 = arith.constant 524288 : i32
    %mul3A_7 = arith.muli %arg1, %mul3A_6 : i32
    %add3A = arith.addi %mul3A_5, %mul3A_7 : i32
    %scan3A_8 = arith.constant 0 : i32
    %scan3A_9 = arith.constant 0 : i32
    %scan3A_10 = arith.constant 32 : i32
    %scan3A_11 = arith.addi %scan3A_9, %scan3A_10 : i32
    %scan3A_12 = arith.constant 1 : i32
    scf.for %scan3A_43 = %scan3A_9 to %scan3A_11 step %scan3A_12  : i32 {
      %mul3A_44 = arith.constant 16384 : i32
      %mul3A_45 = arith.muli %scan3A_43, %mul3A_44 : i32
      %add3A_46 = arith.addi %add3A, %mul3A_45 : i32
      "tpu.region"() ({
        %run_scoped3A = tpu.sem_alloc : memref<!tpu.dma_semaphore, #tpu.memory_space<semaphore_mem>>
        %dma_start3A = tpu.memref_slice %arg5[%add3A_46] : memref<16908288xf32, #tpu.memory_space<hbm>> -> memref<16384xf32, #tpu.memory_space<hbm>>
        %dma_start3A_47 = tpu.memref_slice %arg5[%add3A_46] : memref<16908288xf32, #tpu.memory_space<hbm>> -> memref<16384xf32, #tpu.memory_space<hbm>>
        tpu.enqueue_dma source(%arg6 : memref<16384xf32, #tpu.memory_space<vmem>>) target(%dma_start3A_47 : memref<16384xf32, #tpu.memory_space<hbm>>) target_semaphore(%run_scoped3A : memref<!tpu.dma_semaphore, #tpu.memory_space<semaphore_mem>>)
        %dma_wait3A = tpu.memref_slice %arg5[%add3A_46] : memref<16908288xf32, #tpu.memory_space<hbm>> -> memref<16384xf32, #tpu.memory_space<hbm>>
        %dma_wait3A_48 = tpu.memref_slice %arg5[%add3A_46] : memref<16908288xf32, #tpu.memory_space<hbm>> -> memref<16384xf32, #tpu.memory_space<hbm>>
        tpu.wait_dma2 semaphore(%run_scoped3A : memref<!tpu.dma_semaphore, #tpu.memory_space<semaphore_mem>>) src(%arg6 : memref<16384xf32, #tpu.memory_space<vmem>>) dst(%dma_wait3A_48 : memref<16384xf32, #tpu.memory_space<hbm>>)
        tpu.yield
      }) : () -> ()
    }
    %scan3A_13 = arith.constant 32 : i32
    %mul3A_14 = arith.constant 65536 : i32
    %mul3A_15 = arith.muli %arg0, %mul3A_14 : i32
    %add3A_16 = arith.constant 16777216 : i32
    %add3A_17 = arith.addi %add3A_16, %mul3A_15 : i32
    %mul3A_18 = arith.constant 4096 : i32
    %mul3A_19 = arith.muli %arg1, %mul3A_18 : i32
    %add3A_20 = arith.addi %add3A_17, %mul3A_19 : i32
    "tpu.region"() ({
      %run_scoped3A = tpu.sem_alloc : memref<!tpu.dma_semaphore, #tpu.memory_space<semaphore_mem>>
      %dma_start3A = arith.constant 0 : i32
      %dma_start3A_43 = tpu.memref_slice %arg6[%dma_start3A] : memref<16384xf32, #tpu.memory_space<vmem>> -> memref<4096xf32, #tpu.memory_space<vmem>>
      %dma_start3A_44 = tpu.memref_slice %arg5[%add3A_20] : memref<16908288xf32, #tpu.memory_space<hbm>> -> memref<4096xf32, #tpu.memory_space<hbm>>
      %dma_start3A_45 = tpu.memref_slice %arg5[%add3A_20] : memref<16908288xf32, #tpu.memory_space<hbm>> -> memref<4096xf32, #tpu.memory_space<hbm>>
      %dma_start3A_46 = arith.constant 0 : i32
      %dma_start3A_47 = tpu.memref_slice %arg6[%dma_start3A_46] : memref<16384xf32, #tpu.memory_space<vmem>> -> memref<4096xf32, #tpu.memory_space<vmem>>
      tpu.enqueue_dma source(%dma_start3A_47 : memref<4096xf32, #tpu.memory_space<vmem>>) target(%dma_start3A_45 : memref<4096xf32, #tpu.memory_space<hbm>>) target_semaphore(%run_scoped3A : memref<!tpu.dma_semaphore, #tpu.memory_space<semaphore_mem>>)
      %dma_wait3A = arith.constant 0 : i32
      %dma_wait3A_48 = tpu.memref_slice %arg6[%dma_wait3A] : memref<16384xf32, #tpu.memory_space<vmem>> -> memref<4096xf32, #tpu.memory_space<vmem>>
      %dma_wait3A_49 = tpu.memref_slice %arg5[%add3A_20] : memref<16908288xf32, #tpu.memory_space<hbm>> -> memref<4096xf32, #tpu.memory_space<hbm>>
      %dma_wait3A_50 = tpu.memref_slice %arg5[%add3A_20] : memref<16908288xf32, #tpu.memory_space<hbm>> -> memref<4096xf32, #tpu.memory_space<hbm>>
      %dma_wait3A_51 = arith.constant 0 : i32
      %dma_wait3A_52 = tpu.memref_slice %arg6[%dma_wait3A_51] : memref<16384xf32, #tpu.memory_space<vmem>> -> memref<4096xf32, #tpu.memory_space<vmem>>
      tpu.wait_dma2 semaphore(%run_scoped3A : memref<!tpu.dma_semaphore, #tpu.memory_space<semaphore_mem>>) src(%dma_wait3A_52 : memref<4096xf32, #tpu.memory_space<vmem>>) dst(%dma_wait3A_50 : memref<4096xf32, #tpu.memory_space<hbm>>)
      tpu.yield
    }) : () -> ()
    %barrier3A = arith.constant 0 : index
    tpu.barrier barrier_id(%barrier3A)
    %mul3A_21 = arith.constant 4096 : i32
    %mul3A_22 = arith.muli %arg1, %mul3A_21 : i32
    "tpu.region"() ({
      %run_scoped3A = tpu.sem_alloc : memref<!tpu.dma_semaphore, #tpu.memory_space<semaphore_mem>>
      %dma_start3A = tpu.memref_slice %arg2[%mul3A_22] : memref<65536xi32, #tpu.memory_space<hbm>> -> memref<4096xi32, #tpu.memory_space<hbm>>
      %dma_start3A_43 = tpu.memref_slice %arg2[%mul3A_22] : memref<65536xi32, #tpu.memory_space<hbm>> -> memref<4096xi32, #tpu.memory_space<hbm>>
      tpu.enqueue_dma source(%dma_start3A_43 : memref<4096xi32, #tpu.memory_space<hbm>>) target(%arg7 : memref<4096xi32, #tpu.memory_space<vmem>>) target_semaphore(%run_scoped3A : memref<!tpu.dma_semaphore, #tpu.memory_space<semaphore_mem>>)
      %dma_wait3A = tpu.memref_slice %arg2[%mul3A_22] : memref<65536xi32, #tpu.memory_space<hbm>> -> memref<4096xi32, #tpu.memory_space<hbm>>
      %dma_wait3A_44 = tpu.memref_slice %arg2[%mul3A_22] : memref<65536xi32, #tpu.memory_space<hbm>> -> memref<4096xi32, #tpu.memory_space<hbm>>
      tpu.wait_dma2 semaphore(%run_scoped3A : memref<!tpu.dma_semaphore, #tpu.memory_space<semaphore_mem>>) src(%dma_wait3A_44 : memref<4096xi32, #tpu.memory_space<hbm>>) dst(%arg7 : memref<4096xi32, #tpu.memory_space<vmem>>)
      tpu.yield
    }) : () -> ()
    "tpu.region"() ({
      %run_scoped3A = tpu.sem_alloc : memref<!tpu.dma_semaphore, #tpu.memory_space<semaphore_mem>>
      %dma_start3A = tpu.memref_slice %arg3[%mul3A_22] : memref<65536xi32, #tpu.memory_space<hbm>> -> memref<4096xi32, #tpu.memory_space<hbm>>
      %dma_start3A_43 = tpu.memref_slice %arg3[%mul3A_22] : memref<65536xi32, #tpu.memory_space<hbm>> -> memref<4096xi32, #tpu.memory_space<hbm>>
      tpu.enqueue_dma source(%dma_start3A_43 : memref<4096xi32, #tpu.memory_space<hbm>>) target(%arg8 : memref<4096xi32, #tpu.memory_space<vmem>>) target_semaphore(%run_scoped3A : memref<!tpu.dma_semaphore, #tpu.memory_space<semaphore_mem>>)
      %dma_wait3A = tpu.memref_slice %arg3[%mul3A_22] : memref<65536xi32, #tpu.memory_space<hbm>> -> memref<4096xi32, #tpu.memory_space<hbm>>
      %dma_wait3A_44 = tpu.memref_slice %arg3[%mul3A_22] : memref<65536xi32, #tpu.memory_space<hbm>> -> memref<4096xi32, #tpu.memory_space<hbm>>
      tpu.wait_dma2 semaphore(%run_scoped3A : memref<!tpu.dma_semaphore, #tpu.memory_space<semaphore_mem>>) src(%dma_wait3A_44 : memref<4096xi32, #tpu.memory_space<hbm>>) dst(%arg8 : memref<4096xi32, #tpu.memory_space<vmem>>)
      tpu.yield
    }) : () -> ()
    "tpu.region"() ({
      %run_scoped3A = tpu.sem_alloc : memref<!tpu.dma_semaphore, #tpu.memory_space<semaphore_mem>>
      %dma_start3A = tpu.memref_slice %arg4[%mul3A_22] : memref<65536xf32, #tpu.memory_space<hbm>> -> memref<4096xf32, #tpu.memory_space<hbm>>
      %dma_start3A_43 = tpu.memref_slice %arg4[%mul3A_22] : memref<65536xf32, #tpu.memory_space<hbm>> -> memref<4096xf32, #tpu.memory_space<hbm>>
      tpu.enqueue_dma source(%dma_start3A_43 : memref<4096xf32, #tpu.memory_space<hbm>>) target(%arg9 : memref<4096xf32, #tpu.memory_space<vmem>>) target_semaphore(%run_scoped3A : memref<!tpu.dma_semaphore, #tpu.memory_space<semaphore_mem>>)
      %dma_wait3A = tpu.memref_slice %arg4[%mul3A_22] : memref<65536xf32, #tpu.memory_space<hbm>> -> memref<4096xf32, #tpu.memory_space<hbm>>
      %dma_wait3A_44 = tpu.memref_slice %arg4[%mul3A_22] : memref<65536xf32, #tpu.memory_space<hbm>> -> memref<4096xf32, #tpu.memory_space<hbm>>
      tpu.wait_dma2 semaphore(%run_scoped3A : memref<!tpu.dma_semaphore, #tpu.memory_space<semaphore_mem>>) src(%dma_wait3A_44 : memref<4096xf32, #tpu.memory_space<hbm>>) dst(%arg9 : memref<4096xf32, #tpu.memory_space<vmem>>)
      tpu.yield
    }) : () -> ()
    %mul3A_23 = arith.constant 2048 : i32
    %mul3A_24 = arith.muli %arg0, %mul3A_23 : i32
    %add3A_25 = arith.constant 2048 : i32
    %add3A_26 = arith.addi %mul3A_24, %add3A_25 : i32
    %mul3A_27 = arith.constant 65536 : i32
    %mul3A_28 = arith.muli %arg0, %mul3A_27 : i32
    %add3A_29 = arith.constant 16777216 : i32
    %add3A_30 = arith.addi %add3A_29, %mul3A_28 : i32
    %iota3A = tpu.iota {dimensions = array<i32: 0>} : vector<16xi32>
    %scan3A_31 = arith.constant 0 : i32
    %scan3A_32 = arith.constant 0 : i32
    %scan3A_33 = arith.constant 32 : i32
    %scan3A_34 = arith.addi %scan3A_32, %scan3A_33 : i32
    %scan3A_35 = arith.constant 1 : i32
    scf.for %scan3A_43 = %scan3A_32 to %scan3A_34 step %scan3A_35  : i32 {
      %scan3A_44 = arith.constant 0 : i32
      %scan3A_45 = arith.constant 0 : i32
      %scan3A_46 = arith.constant 8 : i32
      %scan3A_47 = arith.addi %scan3A_45, %scan3A_46 : i32
      %scan3A_48 = arith.constant 1 : i32
      scf.for %scan3A_50 = %scan3A_45 to %scan3A_47 step %scan3A_48  : i32 {
        %mul3A_51 = arith.constant 128 : i32
        %mul3A_52 = arith.muli %scan3A_43, %mul3A_51 : i32
        %mul3A_53 = arith.constant 16 : i32
        %mul3A_54 = arith.muli %scan3A_50, %mul3A_53 : i32
        %add3A_55 = arith.addi %mul3A_52, %mul3A_54 : i32
        %get3A = arith.index_cast %add3A_55 : i32 to index
        %get3A_56 = tpu.vector_load %arg7[%get3A] {strides = array<i32>} : memref<4096xi32, #tpu.memory_space<vmem>>, vector<16xi32>,
        %get3A_57 = vector.shape_cast %get3A_56 : vector<16xi32> to vector<16xi32>
        %mul3A_58 = arith.constant 128 : i32
        %mul3A_59 = arith.muli %scan3A_43, %mul3A_58 : i32
        %mul3A_60 = arith.constant 16 : i32
        %mul3A_61 = arith.muli %scan3A_50, %mul3A_60 : i32
        %add3A_62 = arith.addi %mul3A_59, %mul3A_61 : i32
        %get3A_63 = arith.index_cast %add3A_62 : i32 to index
        %get3A_64 = tpu.vector_load %arg8[%get3A_63] {strides = array<i32>} : memref<4096xi32, #tpu.memory_space<vmem>>, vector<16xi32>,
        %get3A_65 = vector.shape_cast %get3A_64 : vector<16xi32> to vector<16xi32>
        %ge3A = vector.broadcast %mul3A_24 : i32 to vector<16xi32>
        %ge3A_66 = arith.cmpi sge, %get3A_65, %ge3A : vector<16xi32>
        %lt3A = vector.broadcast %add3A_26 : i32 to vector<16xi32>
        %lt3A_67 = arith.cmpi slt, %get3A_65, %lt3A : vector<16xi32>
        %and3A = arith.andi %ge3A_66, %lt3A_67 : vector<16xi1>
        %ge3A_68 = vector.broadcast %mul3A_24 : i32 to vector<16xi32>
        %ge3A_69 = arith.cmpi sge, %get3A_57, %ge3A_68 : vector<16xi32>
        %lt3A_70 = vector.broadcast %add3A_26 : i32 to vector<16xi32>
        %lt3A_71 = arith.cmpi slt, %get3A_57, %lt3A_70 : vector<16xi32>
        %and3A_72 = arith.andi %ge3A_69, %lt3A_71 : vector<16xi1>
        %mul3A_73 = arith.constant 128 : i32
        %mul3A_74 = arith.muli %scan3A_43, %mul3A_73 : i32
        %add3A_75 = arith.addi %mul3A_22, %mul3A_74 : i32
        %mul3A_76 = arith.constant 16 : i32
        %mul3A_77 = arith.muli %scan3A_50, %mul3A_76 : i32
        %add3A_78 = arith.addi %add3A_75, %mul3A_77 : i32
        %add3A_79 = vector.broadcast %add3A_78 : i32 to vector<16xi32>
        %add3A_80 = arith.addi %add3A_79, %iota3A : vector<16xi32>
        %and3A_81 = arith.constant 65535 : i32
        %and3A_82 = vector.broadcast %and3A_81 : i32 to vector<16xi32>
        %and3A_83 = arith.andi %add3A_80, %and3A_82 : vector<16xi32>
        %add3A_84 = vector.broadcast %add3A_30 : i32 to vector<16xi32>
        %add3A_85 = arith.addi %add3A_84, %and3A_83 : vector<16xi32>
        %add3A_86 = arith.constant 32768 : i32
        %add3A_87 = vector.broadcast %add3A_86 : i32 to vector<16xi32>
        %add3A_88 = arith.addi %add3A_80, %add3A_87 : vector<16xi32>
        %and3A_89 = arith.constant 65535 : i32
        %and3A_90 = vector.broadcast %and3A_89 : i32 to vector<16xi32>
        %and3A_91 = arith.andi %add3A_88, %and3A_90 : vector<16xi32>
        %add3A_92 = vector.broadcast %add3A_30 : i32 to vector<16xi32>
        %add3A_93 = arith.addi %add3A_92, %and3A_91 : vector<16xi32>
        %mul3A_94 = arith.constant 4096 : i32
        %mul3A_95 = vector.broadcast %mul3A_94 : i32 to vector<16xi32>
        %mul3A_96 = arith.muli %get3A_65, %mul3A_95 : vector<16xi32>
        %add3A_97 = arith.addi %mul3A_96, %get3A_57 : vector<16xi32>
        %select_n3A = arith.select %and3A, %add3A_97, %add3A_85 : vector<16xi1>, vector<16xi32>
        %mul3A_98 = arith.constant 16 : i32
        %mul3A_99 = arith.muli %scan3A_50, %mul3A_98 : i32
        %swap3A = arith.index_cast %scan3A_43 : i32 to index
        %swap3A_100 = arith.index_cast %mul3A_99 : i32 to index
        %swap3A_101 = tpu.vector_load %arg10[%swap3A, %swap3A_100] {strides = array<i32>} : memref<32x128xi32, #tpu.memory_space<vmem>>, vector<1x16xi32>,
        %swap3A_102 = vector.shape_cast %swap3A_101 : vector<1x16xi32> to vector<16xi32>
        %swap3A_103 = vector.shape_cast %select_n3A : vector<16xi32> to vector<1x16xi32>
        tpu.vector_store %arg10[%swap3A, %swap3A_100], %swap3A_103 {strides = array<i32>} : memref<32x128xi32, #tpu.memory_space<vmem>>, vector<1x16xi32>,
        %mul3A_104 = arith.constant 4096 : i32
        %mul3A_105 = vector.broadcast %mul3A_104 : i32 to vector<16xi32>
        %mul3A_106 = arith.muli %get3A_57, %mul3A_105 : vector<16xi32>
        %add3A_107 = arith.addi %mul3A_106, %get3A_65 : vector<16xi32>
        %select_n3A_108 = arith.select %and3A_72, %add3A_107, %add3A_93 : vector<16xi1>, vector<16xi32>
        %mul3A_109 = arith.constant 16 : i32
        %mul3A_110 = arith.muli %scan3A_50, %mul3A_109 : i32
        %swap3A_111 = arith.index_cast %scan3A_43 : i32 to index
        %swap3A_112 = arith.index_cast %mul3A_110 : i32 to index
        %swap3A_113 = tpu.vector_load %arg11[%swap3A_111, %swap3A_112] {strides = array<i32>} : memref<32x128xi32, #tpu.memory_space<vmem>>, vector<1x16xi32>,
        %swap3A_114 = vector.shape_cast %swap3A_113 : vector<1x16xi32> to vector<16xi32>
        %swap3A_115 = vector.shape_cast %select_n3A_108 : vector<16xi32> to vector<1x16xi32>
        tpu.vector_store %arg11[%swap3A_111, %swap3A_112], %swap3A_115 {strides = array<i32>} : memref<32x128xi32, #tpu.memory_space<vmem>>, vector<1x16xi32>,
      }
      %scan3A_49 = arith.constant 8 : i32
    }
    %scan3A_36 = arith.constant 32 : i32
    %scan3A_37 = arith.constant 0 : i32
    %scan3A_38 = arith.constant 0 : i32
    %scan3A_39 = arith.constant 32 : i32
    %scan3A_40 = arith.addi %scan3A_38, %scan3A_39 : i32
    %scan3A_41 = arith.constant 1 : i32
    scf.for %scan3A_43 = %scan3A_38 to %scan3A_40 step %scan3A_41  : i32 {
      %mul3A_44 = arith.constant 128 : i32
      %mul3A_45 = arith.muli %scan3A_43, %mul3A_44 : i32
      %dma_start3A = tpu.memref_slice %arg9[%mul3A_45] : memref<4096xf32, #tpu.memory_space<vmem>> -> memref<128xf32, #tpu.memory_space<vmem>>
      %dma_start3A_46 = arith.constant 0 : i32
      %dma_start3A_47 = tpu.memref_slice %arg10[%scan3A_43, %dma_start3A_46] : memref<32x128xi32, #tpu.memory_space<vmem>> -> memref<1x128xi32, #tpu.memory_space<vmem>>
      %dma_start3A_48 = tpu.memref_squeeze %dma_start3A_47 : memref<1x128xi32, #tpu.memory_space<vmem>> -> memref<128xi32, #tpu.memory_space<vmem>>
      %dma_start3A_49 = arith.constant 0 : i32
      %dma_start3A_50 = tpu.memref_slice %arg5[%dma_start3A_49] : memref<16908288xf32, #tpu.memory_space<hbm>> -> memref<16908288xf32, #tpu.memory_space<hbm>>
      tpu.enqueue_indirect_dma source(%dma_start3A : memref<128xf32, #tpu.memory_space<vmem>>) target(%dma_start3A_50 : memref<16908288xf32, #tpu.memory_space<hbm>>) offsets(%dma_start3A_48 : memref<128xi32, #tpu.memory_space<vmem>>) semaphore(%arg12 : memref<!tpu.dma_semaphore, #tpu.memory_space<semaphore_mem>>)
      %dma_start3A_51 = tpu.memref_slice %arg9[%mul3A_45] : memref<4096xf32, #tpu.memory_space<vmem>> -> memref<128xf32, #tpu.memory_space<vmem>>
      %dma_start3A_52 = arith.constant 0 : i32
      %dma_start3A_53 = tpu.memref_slice %arg11[%scan3A_43, %dma_start3A_52] : memref<32x128xi32, #tpu.memory_space<vmem>> -> memref<1x128xi32, #tpu.memory_space<vmem>>
      %dma_start3A_54 = tpu.memref_squeeze %dma_start3A_53 : memref<1x128xi32, #tpu.memory_space<vmem>> -> memref<128xi32, #tpu.memory_space<vmem>>
      %dma_start3A_55 = arith.constant 0 : i32
      %dma_start3A_56 = tpu.memref_slice %arg5[%dma_start3A_55] : memref<16908288xf32, #tpu.memory_space<hbm>> -> memref<16908288xf32, #tpu.memory_space<hbm>>
      tpu.enqueue_indirect_dma source(%dma_start3A_51 : memref<128xf32, #tpu.memory_space<vmem>>) target(%dma_start3A_56 : memref<16908288xf32, #tpu.memory_space<hbm>>) offsets(%dma_start3A_54 : memref<128xi32, #tpu.memory_space<vmem>>) semaphore(%arg13 : memref<!tpu.dma_semaphore, #tpu.memory_space<semaphore_mem>>)
      %dma_wait3A = tpu.memref_slice %arg9[%mul3A_45] : memref<4096xf32, #tpu.memory_space<vmem>> -> memref<128xf32, #tpu.memory_space<vmem>>
      %dma_wait3A_57 = arith.constant 0 : i32
      %dma_wait3A_58 = tpu.memref_slice %arg10[%scan3A_43, %dma_wait3A_57] : memref<32x128xi32, #tpu.memory_space<vmem>> -> memref<1x128xi32, #tpu.memory_space<vmem>>
      %dma_wait3A_59 = tpu.memref_squeeze %dma_wait3A_58 : memref<1x128xi32, #tpu.memory_space<vmem>> -> memref<128xi32, #tpu.memory_space<vmem>>
      %dma_wait3A_60 = arith.constant 0 : i32
      %dma_wait3A_61 = tpu.memref_slice %arg5[%dma_wait3A_60] : memref<16908288xf32, #tpu.memory_space<hbm>> -> memref<16908288xf32, #tpu.memory_space<hbm>>
      tpu.wait_indirect_dma semaphore(%arg12 : memref<!tpu.dma_semaphore, #tpu.memory_space<semaphore_mem>>) src(%dma_wait3A : memref<128xf32, #tpu.memory_space<vmem>>) dst(%dma_wait3A_61 : memref<16908288xf32, #tpu.memory_space<hbm>>)
      %dma_wait3A_62 = tpu.memref_slice %arg9[%mul3A_45] : memref<4096xf32, #tpu.memory_space<vmem>> -> memref<128xf32, #tpu.memory_space<vmem>>
      %dma_wait3A_63 = arith.constant 0 : i32
      %dma_wait3A_64 = tpu.memref_slice %arg11[%scan3A_43, %dma_wait3A_63] : memref<32x128xi32, #tpu.memory_space<vmem>> -> memref<1x128xi32, #tpu.memory_space<vmem>>
      %dma_wait3A_65 = tpu.memref_squeeze %dma_wait3A_64 : memref<1x128xi32, #tpu.memory_space<vmem>> -> memref<128xi32, #tpu.memory_space<vmem>>
      %dma_wait3A_66 = arith.constant 0 : i32
      %dma_wait3A_67 = tpu.memref_slice %arg5[%dma_wait3A_66] : memref<16908288xf32, #tpu.memory_space<hbm>> -> memref<16908288xf32, #tpu.memory_space<hbm>>
      tpu.wait_indirect_dma semaphore(%arg13 : memref<!tpu.dma_semaphore, #tpu.memory_space<semaphore_mem>>) src(%dma_wait3A_62 : memref<128xf32, #tpu.memory_space<vmem>>) dst(%dma_wait3A_67 : memref<16908288xf32, #tpu.memory_space<hbm>>)
    }
    %scan3A_42 = arith.constant 32 : i32
    return
  }
}

#map = affine_map<(d0, d1) -> (0, 0)>
#map1 = affine_map<(d0, d1) -> (0)>
module attributes {stable_mosaic.version = 14 : i64} {
  func.func @gather_kernel(%arg0: i32, %arg1: i32, %arg2: memref<4096x512xi32, #tpu.memory_space<hbm>>, %arg3: memref<4096x512xi32, #tpu.memory_space<hbm>>, %arg4: memref<65536xi32, #tpu.memory_space<hbm>>, %arg5: memref<65536xi32, #tpu.memory_space<hbm>>, %arg6: memref<65536x512xi32, #tpu.memory_space<hbm>>, %arg7: memref<65536x512xi32, #tpu.memory_space<hbm>>, %arg8: memref<2048xi32, #tpu.memory_space<vmem>>, %arg9: memref<2048xi32, #tpu.memory_space<vmem>>, %arg10: memref<32x512xi32, #tpu.memory_space<vmem>>, %arg11: memref<32x512xi32, #tpu.memory_space<vmem>>, %arg12: memref<32x512xi32, #tpu.memory_space<vmem>>, %arg13: memref<32x512xi32, #tpu.memory_space<vmem>>, %arg14: memref<!tpu.dma_semaphore, #tpu.memory_space<semaphore_mem>>, %arg15: memref<!tpu.dma_semaphore, #tpu.memory_space<semaphore_mem>>, %arg16: memref<!tpu.dma_semaphore, #tpu.memory_space<semaphore_mem>>, %arg17: memref<!tpu.dma_semaphore, #tpu.memory_space<semaphore_mem>>) attributes {dimension_semantics = [#tpu.dimension_semantics<core_parallel>, #tpu.dimension_semantics<subcore_parallel>], iteration_bounds = array<i64: 2, 16>, scalar_prefetch = 0 : i64, scratch_operands = 10 : i64, tpu.core_type = #tpu.core_type<sc_vector_subcore>, window_params = [{transform_indices = #map}, {transform_indices = #map}, {transform_indices = #map1}, {transform_indices = #map1}, {transform_indices = #map}, {transform_indices = #map}]} {
    %mul3A = arith.constant 2 : i32
    %mul3A_0 = arith.muli %arg1, %mul3A : i32
    %add3A = arith.addi %mul3A_0, %arg0 : i32
    %mul3A_1 = arith.constant 2048 : i32
    %mul3A_2 = arith.muli %add3A, %mul3A_1 : i32
    "tpu.region"() ({
      %run_scoped3A = tpu.sem_alloc : memref<!tpu.dma_semaphore, #tpu.memory_space<semaphore_mem>>
      %dma_start3A_17 = tpu.memref_slice %arg4[%mul3A_2] : memref<65536xi32, #tpu.memory_space<hbm>> -> memref<2048xi32, #tpu.memory_space<hbm>>
      %dma_start3A_18 = tpu.memref_slice %arg4[%mul3A_2] : memref<65536xi32, #tpu.memory_space<hbm>> -> memref<2048xi32, #tpu.memory_space<hbm>>
      tpu.enqueue_dma source(%dma_start3A_18 : memref<2048xi32, #tpu.memory_space<hbm>>) target(%arg8 : memref<2048xi32, #tpu.memory_space<vmem>>) target_semaphore(%run_scoped3A : memref<!tpu.dma_semaphore, #tpu.memory_space<semaphore_mem>>)
      %dma_wait3A = tpu.memref_slice %arg4[%mul3A_2] : memref<65536xi32, #tpu.memory_space<hbm>> -> memref<2048xi32, #tpu.memory_space<hbm>>
      %dma_wait3A_19 = tpu.memref_slice %arg4[%mul3A_2] : memref<65536xi32, #tpu.memory_space<hbm>> -> memref<2048xi32, #tpu.memory_space<hbm>>
      tpu.wait_dma2 semaphore(%run_scoped3A : memref<!tpu.dma_semaphore, #tpu.memory_space<semaphore_mem>>) src(%dma_wait3A_19 : memref<2048xi32, #tpu.memory_space<hbm>>) dst(%arg8 : memref<2048xi32, #tpu.memory_space<vmem>>)
      tpu.yield
    }) : () -> ()
    "tpu.region"() ({
      %run_scoped3A = tpu.sem_alloc : memref<!tpu.dma_semaphore, #tpu.memory_space<semaphore_mem>>
      %dma_start3A_17 = tpu.memref_slice %arg5[%mul3A_2] : memref<65536xi32, #tpu.memory_space<hbm>> -> memref<2048xi32, #tpu.memory_space<hbm>>
      %dma_start3A_18 = tpu.memref_slice %arg5[%mul3A_2] : memref<65536xi32, #tpu.memory_space<hbm>> -> memref<2048xi32, #tpu.memory_space<hbm>>
      tpu.enqueue_dma source(%dma_start3A_18 : memref<2048xi32, #tpu.memory_space<hbm>>) target(%arg9 : memref<2048xi32, #tpu.memory_space<vmem>>) target_semaphore(%run_scoped3A : memref<!tpu.dma_semaphore, #tpu.memory_space<semaphore_mem>>)
      %dma_wait3A = tpu.memref_slice %arg5[%mul3A_2] : memref<65536xi32, #tpu.memory_space<hbm>> -> memref<2048xi32, #tpu.memory_space<hbm>>
      %dma_wait3A_19 = tpu.memref_slice %arg5[%mul3A_2] : memref<65536xi32, #tpu.memory_space<hbm>> -> memref<2048xi32, #tpu.memory_space<hbm>>
      tpu.wait_dma2 semaphore(%run_scoped3A : memref<!tpu.dma_semaphore, #tpu.memory_space<semaphore_mem>>) src(%dma_wait3A_19 : memref<2048xi32, #tpu.memory_space<hbm>>) dst(%arg9 : memref<2048xi32, #tpu.memory_space<vmem>>)
      tpu.yield
    }) : () -> ()
    %dma_start3A = arith.constant 0 : i32
    %dma_start3A_3 = tpu.memref_slice %arg8[%dma_start3A] : memref<2048xi32, #tpu.memory_space<vmem>> -> memref<32xi32, #tpu.memory_space<vmem>>
    %dma_start3A_4 = arith.constant 0 : i32
    %dma_start3A_5 = arith.constant 0 : i32
    %dma_start3A_6 = tpu.memref_slice %arg2[%dma_start3A_4, %dma_start3A_5] : memref<4096x512xi32, #tpu.memory_space<hbm>> -> memref<4096x512xi32, #tpu.memory_space<hbm>>
    tpu.enqueue_indirect_dma source(%dma_start3A_6 : memref<4096x512xi32, #tpu.memory_space<hbm>>) target(%arg10 : memref<32x512xi32, #tpu.memory_space<vmem>>) offsets(%dma_start3A_3 : memref<32xi32, #tpu.memory_space<vmem>>) semaphore(%arg14 : memref<!tpu.dma_semaphore, #tpu.memory_space<semaphore_mem>>)
    %dma_start3A_7 = arith.constant 0 : i32
    %dma_start3A_8 = tpu.memref_slice %arg9[%dma_start3A_7] : memref<2048xi32, #tpu.memory_space<vmem>> -> memref<32xi32, #tpu.memory_space<vmem>>
    %dma_start3A_9 = arith.constant 0 : i32
    %dma_start3A_10 = arith.constant 0 : i32
    %dma_start3A_11 = tpu.memref_slice %arg3[%dma_start3A_9, %dma_start3A_10] : memref<4096x512xi32, #tpu.memory_space<hbm>> -> memref<4096x512xi32, #tpu.memory_space<hbm>>
    tpu.enqueue_indirect_dma source(%dma_start3A_11 : memref<4096x512xi32, #tpu.memory_space<hbm>>) target(%arg11 : memref<32x512xi32, #tpu.memory_space<vmem>>) offsets(%dma_start3A_8 : memref<32xi32, #tpu.memory_space<vmem>>) semaphore(%arg15 : memref<!tpu.dma_semaphore, #tpu.memory_space<semaphore_mem>>)
    %scan3A = arith.constant 0 : i32
    %scan3A_12 = arith.constant 0 : i32
    %scan3A_13 = arith.constant 32 : i32
    %scan3A_14 = arith.addi %scan3A_12, %scan3A_13 : i32
    %scan3A_15 = arith.constant 1 : i32
    scf.for %scan3A_17 = %scan3A_12 to %scan3A_14 step %scan3A_15  : i32 {
      %mul3A_18 = arith.constant 2 : i32
      %mul3A_19 = arith.muli %mul3A_18, %scan3A_17 : i32
      %add3A_20 = arith.constant 1 : i32
      %add3A_21 = arith.addi %mul3A_19, %add3A_20 : i32
      %mul3A_22 = arith.constant 32 : i32
      %mul3A_23 = arith.muli %add3A_21, %mul3A_22 : i32
      %dma_start3A_24 = tpu.memref_slice %arg8[%mul3A_23] : memref<2048xi32, #tpu.memory_space<vmem>> -> memref<32xi32, #tpu.memory_space<vmem>>
      %dma_start3A_25 = arith.constant 0 : i32
      %dma_start3A_26 = arith.constant 0 : i32
      %dma_start3A_27 = tpu.memref_slice %arg2[%dma_start3A_25, %dma_start3A_26] : memref<4096x512xi32, #tpu.memory_space<hbm>> -> memref<4096x512xi32, #tpu.memory_space<hbm>>
      tpu.enqueue_indirect_dma source(%dma_start3A_27 : memref<4096x512xi32, #tpu.memory_space<hbm>>) target(%arg12 : memref<32x512xi32, #tpu.memory_space<vmem>>) offsets(%dma_start3A_24 : memref<32xi32, #tpu.memory_space<vmem>>) semaphore(%arg16 : memref<!tpu.dma_semaphore, #tpu.memory_space<semaphore_mem>>)
      %mul3A_28 = arith.constant 32 : i32
      %mul3A_29 = arith.muli %add3A_21, %mul3A_28 : i32
      %dma_start3A_30 = tpu.memref_slice %arg9[%mul3A_29] : memref<2048xi32, #tpu.memory_space<vmem>> -> memref<32xi32, #tpu.memory_space<vmem>>
      %dma_start3A_31 = arith.constant 0 : i32
      %dma_start3A_32 = arith.constant 0 : i32
      %dma_start3A_33 = tpu.memref_slice %arg3[%dma_start3A_31, %dma_start3A_32] : memref<4096x512xi32, #tpu.memory_space<hbm>> -> memref<4096x512xi32, #tpu.memory_space<hbm>>
      tpu.enqueue_indirect_dma source(%dma_start3A_33 : memref<4096x512xi32, #tpu.memory_space<hbm>>) target(%arg13 : memref<32x512xi32, #tpu.memory_space<vmem>>) offsets(%dma_start3A_30 : memref<32xi32, #tpu.memory_space<vmem>>) semaphore(%arg17 : memref<!tpu.dma_semaphore, #tpu.memory_space<semaphore_mem>>)
      %mul3A_34 = arith.constant 32 : i32
      %mul3A_35 = arith.muli %mul3A_19, %mul3A_34 : i32
      %mul3A_36 = arith.constant 32 : i32
      %mul3A_37 = arith.muli %mul3A_19, %mul3A_36 : i32
      %dma_wait3A = tpu.memref_slice %arg8[%mul3A_35] : memref<2048xi32, #tpu.memory_space<vmem>> -> memref<32xi32, #tpu.memory_space<vmem>>
      %dma_wait3A_38 = arith.constant 0 : i32
      %dma_wait3A_39 = arith.constant 0 : i32
      %dma_wait3A_40 = tpu.memref_slice %arg2[%dma_wait3A_38, %dma_wait3A_39] : memref<4096x512xi32, #tpu.memory_space<hbm>> -> memref<4096x512xi32, #tpu.memory_space<hbm>>
      tpu.wait_indirect_dma semaphore(%arg14 : memref<!tpu.dma_semaphore, #tpu.memory_space<semaphore_mem>>) src(%dma_wait3A_40 : memref<4096x512xi32, #tpu.memory_space<hbm>>) dst(%arg10 : memref<32x512xi32, #tpu.memory_space<vmem>>)
      %dma_wait3A_41 = tpu.memref_slice %arg9[%mul3A_37] : memref<2048xi32, #tpu.memory_space<vmem>> -> memref<32xi32, #tpu.memory_space<vmem>>
      %dma_wait3A_42 = arith.constant 0 : i32
      %dma_wait3A_43 = arith.constant 0 : i32
      %dma_wait3A_44 = tpu.memref_slice %arg3[%dma_wait3A_42, %dma_wait3A_43] : memref<4096x512xi32, #tpu.memory_space<hbm>> -> memref<4096x512xi32, #tpu.memory_space<hbm>>
      tpu.wait_indirect_dma semaphore(%arg15 : memref<!tpu.dma_semaphore, #tpu.memory_space<semaphore_mem>>) src(%dma_wait3A_44 : memref<4096x512xi32, #tpu.memory_space<hbm>>) dst(%arg11 : memref<32x512xi32, #tpu.memory_space<vmem>>)
      %mul3A_45 = arith.constant 32 : i32
      %mul3A_46 = arith.muli %mul3A_19, %mul3A_45 : i32
      %add3A_47 = arith.addi %mul3A_2, %mul3A_46 : i32
      "tpu.region"() ({
        %run_scoped3A = tpu.sem_alloc : memref<!tpu.dma_semaphore, #tpu.memory_space<semaphore_mem>>
        %dma_start3A_67 = arith.constant 0 : i32
        %dma_start3A_68 = tpu.memref_slice %arg6[%add3A_47, %dma_start3A_67] : memref<65536x512xi32, #tpu.memory_space<hbm>> -> memref<32x512xi32, #tpu.memory_space<hbm>>
        %dma_start3A_69 = arith.constant 0 : i32
        %dma_start3A_70 = tpu.memref_slice %arg6[%add3A_47, %dma_start3A_69] : memref<65536x512xi32, #tpu.memory_space<hbm>> -> memref<32x512xi32, #tpu.memory_space<hbm>>
        tpu.enqueue_dma source(%arg10 : memref<32x512xi32, #tpu.memory_space<vmem>>) target(%dma_start3A_70 : memref<32x512xi32, #tpu.memory_space<hbm>>) target_semaphore(%run_scoped3A : memref<!tpu.dma_semaphore, #tpu.memory_space<semaphore_mem>>)
        %dma_wait3A_71 = arith.constant 0 : i32
        %dma_wait3A_72 = tpu.memref_slice %arg6[%add3A_47, %dma_wait3A_71] : memref<65536x512xi32, #tpu.memory_space<hbm>> -> memref<32x512xi32, #tpu.memory_space<hbm>>
        %dma_wait3A_73 = arith.constant 0 : i32
        %dma_wait3A_74 = tpu.memref_slice %arg6[%add3A_47, %dma_wait3A_73] : memref<65536x512xi32, #tpu.memory_space<hbm>> -> memref<32x512xi32, #tpu.memory_space<hbm>>
        tpu.wait_dma2 semaphore(%run_scoped3A : memref<!tpu.dma_semaphore, #tpu.memory_space<semaphore_mem>>) src(%arg10 : memref<32x512xi32, #tpu.memory_space<vmem>>) dst(%dma_wait3A_74 : memref<32x512xi32, #tpu.memory_space<hbm>>)
        tpu.yield
      }) : () -> ()
      "tpu.region"() ({
        %run_scoped3A = tpu.sem_alloc : memref<!tpu.dma_semaphore, #tpu.memory_space<semaphore_mem>>
        %dma_start3A_67 = arith.constant 0 : i32
        %dma_start3A_68 = tpu.memref_slice %arg7[%add3A_47, %dma_start3A_67] : memref<65536x512xi32, #tpu.memory_space<hbm>> -> memref<32x512xi32, #tpu.memory_space<hbm>>
        %dma_start3A_69 = arith.constant 0 : i32
        %dma_start3A_70 = tpu.memref_slice %arg7[%add3A_47, %dma_start3A_69] : memref<65536x512xi32, #tpu.memory_space<hbm>> -> memref<32x512xi32, #tpu.memory_space<hbm>>
        tpu.enqueue_dma source(%arg11 : memref<32x512xi32, #tpu.memory_space<vmem>>) target(%dma_start3A_70 : memref<32x512xi32, #tpu.memory_space<hbm>>) target_semaphore(%run_scoped3A : memref<!tpu.dma_semaphore, #tpu.memory_space<semaphore_mem>>)
        %dma_wait3A_71 = arith.constant 0 : i32
        %dma_wait3A_72 = tpu.memref_slice %arg7[%add3A_47, %dma_wait3A_71] : memref<65536x512xi32, #tpu.memory_space<hbm>> -> memref<32x512xi32, #tpu.memory_space<hbm>>
        %dma_wait3A_73 = arith.constant 0 : i32
        %dma_wait3A_74 = tpu.memref_slice %arg7[%add3A_47, %dma_wait3A_73] : memref<65536x512xi32, #tpu.memory_space<hbm>> -> memref<32x512xi32, #tpu.memory_space<hbm>>
        tpu.wait_dma2 semaphore(%run_scoped3A : memref<!tpu.dma_semaphore, #tpu.memory_space<semaphore_mem>>) src(%arg11 : memref<32x512xi32, #tpu.memory_space<vmem>>) dst(%dma_wait3A_74 : memref<32x512xi32, #tpu.memory_space<hbm>>)
        tpu.yield
      }) : () -> ()
      %add3A_48 = arith.constant 2 : i32
      %add3A_49 = arith.addi %mul3A_19, %add3A_48 : i32
      %lt3A = arith.constant 64 : i32
      %lt3A_50 = arith.cmpi slt, %add3A_49, %lt3A : i32
      %convert_element_type3A = arith.extui %lt3A_50 : i1 to i32
      %cond3A = arith.constant 0 : i32
      %cond3A_51 = arith.cmpi ne, %convert_element_type3A, %cond3A : i32
      scf.if %cond3A_51 {
        %add3A_67 = arith.constant 2 : i32
        %add3A_68 = arith.addi %mul3A_19, %add3A_67 : i32
        %mul3A_69 = arith.constant 32 : i32
        %mul3A_70 = arith.muli %add3A_68, %mul3A_69 : i32
        %dma_start3A_71 = tpu.memref_slice %arg8[%mul3A_70] : memref<2048xi32, #tpu.memory_space<vmem>> -> memref<32xi32, #tpu.memory_space<vmem>>
        %dma_start3A_72 = arith.constant 0 : i32
        %dma_start3A_73 = arith.constant 0 : i32
        %dma_start3A_74 = tpu.memref_slice %arg2[%dma_start3A_72, %dma_start3A_73] : memref<4096x512xi32, #tpu.memory_space<hbm>> -> memref<4096x512xi32, #tpu.memory_space<hbm>>
        tpu.enqueue_indirect_dma source(%dma_start3A_74 : memref<4096x512xi32, #tpu.memory_space<hbm>>) target(%arg10 : memref<32x512xi32, #tpu.memory_space<vmem>>) offsets(%dma_start3A_71 : memref<32xi32, #tpu.memory_space<vmem>>) semaphore(%arg14 : memref<!tpu.dma_semaphore, #tpu.memory_space<semaphore_mem>>)
        %mul3A_75 = arith.constant 32 : i32
        %mul3A_76 = arith.muli %add3A_68, %mul3A_75 : i32
        %dma_start3A_77 = tpu.memref_slice %arg9[%mul3A_76] : memref<2048xi32, #tpu.memory_space<vmem>> -> memref<32xi32, #tpu.memory_space<vmem>>
        %dma_start3A_78 = arith.constant 0 : i32
        %dma_start3A_79 = arith.constant 0 : i32
        %dma_start3A_80 = tpu.memref_slice %arg3[%dma_start3A_78, %dma_start3A_79] : memref<4096x512xi32, #tpu.memory_space<hbm>> -> memref<4096x512xi32, #tpu.memory_space<hbm>>
        tpu.enqueue_indirect_dma source(%dma_start3A_80 : memref<4096x512xi32, #tpu.memory_space<hbm>>) target(%arg11 : memref<32x512xi32, #tpu.memory_space<vmem>>) offsets(%dma_start3A_77 : memref<32xi32, #tpu.memory_space<vmem>>) semaphore(%arg15 : memref<!tpu.dma_semaphore, #tpu.memory_space<semaphore_mem>>)
      } else {
      }
      %mul3A_52 = arith.constant 32 : i32
      %mul3A_53 = arith.muli %add3A_21, %mul3A_52 : i32
      %mul3A_54 = arith.constant 32 : i32
      %mul3A_55 = arith.muli %add3A_21, %mul3A_54 : i32
      %dma_wait3A_56 = tpu.memref_slice %arg8[%mul3A_53] : memref<2048xi32, #tpu.memory_space<vmem>> -> memref<32xi32, #tpu.memory_space<vmem>>
      %dma_wait3A_57 = arith.constant 0 : i32
      %dma_wait3A_58 = arith.constant 0 : i32
      %dma_wait3A_59 = tpu.memref_slice %arg2[%dma_wait3A_57, %dma_wait3A_58] : memref<4096x512xi32, #tpu.memory_space<hbm>> -> memref<4096x512xi32, #tpu.memory_space<hbm>>
      tpu.wait_indirect_dma semaphore(%arg16 : memref<!tpu.dma_semaphore, #tpu.memory_space<semaphore_mem>>) src(%dma_wait3A_59 : memref<4096x512xi32, #tpu.memory_space<hbm>>) dst(%arg12 : memref<32x512xi32, #tpu.memory_space<vmem>>)
      %dma_wait3A_60 = tpu.memref_slice %arg9[%mul3A_55] : memref<2048xi32, #tpu.memory_space<vmem>> -> memref<32xi32, #tpu.memory_space<vmem>>
      %dma_wait3A_61 = arith.constant 0 : i32
      %dma_wait3A_62 = arith.constant 0 : i32
      %dma_wait3A_63 = tpu.memref_slice %arg3[%dma_wait3A_61, %dma_wait3A_62] : memref<4096x512xi32, #tpu.memory_space<hbm>> -> memref<4096x512xi32, #tpu.memory_space<hbm>>
      tpu.wait_indirect_dma semaphore(%arg17 : memref<!tpu.dma_semaphore, #tpu.memory_space<semaphore_mem>>) src(%dma_wait3A_63 : memref<4096x512xi32, #tpu.memory_space<hbm>>) dst(%arg13 : memref<32x512xi32, #tpu.memory_space<vmem>>)
      %mul3A_64 = arith.constant 32 : i32
      %mul3A_65 = arith.muli %add3A_21, %mul3A_64 : i32
      %add3A_66 = arith.addi %mul3A_2, %mul3A_65 : i32
      "tpu.region"() ({
        %run_scoped3A = tpu.sem_alloc : memref<!tpu.dma_semaphore, #tpu.memory_space<semaphore_mem>>
        %dma_start3A_67 = arith.constant 0 : i32
        %dma_start3A_68 = tpu.memref_slice %arg6[%add3A_66, %dma_start3A_67] : memref<65536x512xi32, #tpu.memory_space<hbm>> -> memref<32x512xi32, #tpu.memory_space<hbm>>
        %dma_start3A_69 = arith.constant 0 : i32
        %dma_start3A_70 = tpu.memref_slice %arg6[%add3A_66, %dma_start3A_69] : memref<65536x512xi32, #tpu.memory_space<hbm>> -> memref<32x512xi32, #tpu.memory_space<hbm>>
        tpu.enqueue_dma source(%arg12 : memref<32x512xi32, #tpu.memory_space<vmem>>) target(%dma_start3A_70 : memref<32x512xi32, #tpu.memory_space<hbm>>) target_semaphore(%run_scoped3A : memref<!tpu.dma_semaphore, #tpu.memory_space<semaphore_mem>>)
        %dma_wait3A_71 = arith.constant 0 : i32
        %dma_wait3A_72 = tpu.memref_slice %arg6[%add3A_66, %dma_wait3A_71] : memref<65536x512xi32, #tpu.memory_space<hbm>> -> memref<32x512xi32, #tpu.memory_space<hbm>>
        %dma_wait3A_73 = arith.constant 0 : i32
        %dma_wait3A_74 = tpu.memref_slice %arg6[%add3A_66, %dma_wait3A_73] : memref<65536x512xi32, #tpu.memory_space<hbm>> -> memref<32x512xi32, #tpu.memory_space<hbm>>
        tpu.wait_dma2 semaphore(%run_scoped3A : memref<!tpu.dma_semaphore, #tpu.memory_space<semaphore_mem>>) src(%arg12 : memref<32x512xi32, #tpu.memory_space<vmem>>) dst(%dma_wait3A_74 : memref<32x512xi32, #tpu.memory_space<hbm>>)
        tpu.yield
      }) : () -> ()
      "tpu.region"() ({
        %run_scoped3A = tpu.sem_alloc : memref<!tpu.dma_semaphore, #tpu.memory_space<semaphore_mem>>
        %dma_start3A_67 = arith.constant 0 : i32
        %dma_start3A_68 = tpu.memref_slice %arg7[%add3A_66, %dma_start3A_67] : memref<65536x512xi32, #tpu.memory_space<hbm>> -> memref<32x512xi32, #tpu.memory_space<hbm>>
        %dma_start3A_69 = arith.constant 0 : i32
        %dma_start3A_70 = tpu.memref_slice %arg7[%add3A_66, %dma_start3A_69] : memref<65536x512xi32, #tpu.memory_space<hbm>> -> memref<32x512xi32, #tpu.memory_space<hbm>>
        tpu.enqueue_dma source(%arg13 : memref<32x512xi32, #tpu.memory_space<vmem>>) target(%dma_start3A_70 : memref<32x512xi32, #tpu.memory_space<hbm>>) target_semaphore(%run_scoped3A : memref<!tpu.dma_semaphore, #tpu.memory_space<semaphore_mem>>)
        %dma_wait3A_71 = arith.constant 0 : i32
        %dma_wait3A_72 = tpu.memref_slice %arg7[%add3A_66, %dma_wait3A_71] : memref<65536x512xi32, #tpu.memory_space<hbm>> -> memref<32x512xi32, #tpu.memory_space<hbm>>
        %dma_wait3A_73 = arith.constant 0 : i32
        %dma_wait3A_74 = tpu.memref_slice %arg7[%add3A_66, %dma_wait3A_73] : memref<65536x512xi32, #tpu.memory_space<hbm>> -> memref<32x512xi32, #tpu.memory_space<hbm>>
        tpu.wait_dma2 semaphore(%run_scoped3A : memref<!tpu.dma_semaphore, #tpu.memory_space<semaphore_mem>>) src(%arg13 : memref<32x512xi32, #tpu.memory_space<vmem>>) dst(%dma_wait3A_74 : memref<32x512xi32, #tpu.memory_space<hbm>>)
        tpu.yield
      }) : () -> ()
    }
    %scan3A_16 = arith.constant 32 : i32
    return
  }
}

module attributes {stable_mosaic.version = 14 : i64} {
  func.func @_proj_body(%arg0: i32, %arg1: memref<512x512xf32, #tpu.memory_space<vmem>>, %arg2: memref<512x1024xf32, #tpu.memory_space<vmem>>, %arg3: memref<512x1024xf32, #tpu.memory_space<vmem>>, %arg4: memref<512x512xi32, #tpu.memory_space<vmem>>, %arg5: memref<512x512xi32, #tpu.memory_space<vmem>>) attributes {dimension_semantics = [#tpu.dimension_semantics<arbitrary>], iteration_bounds = array<i64: 8>, scalar_prefetch = 0 : i64, scratch_operands = 0 : i64, tpu.core_type = #tpu.core_type<tc>, window_params = [{transform_indices = @transform_0, window_bounds = array<i64: 512, 512>}, {pipeline_mode = #tpu.pipeline_mode<synchronous>, transform_indices = @transform_1, window_bounds = array<i64: 512, 1024>}, {pipeline_mode = #tpu.pipeline_mode<synchronous>, transform_indices = @transform_2, window_bounds = array<i64: 512, 1024>}, {transform_indices = @transform_3, window_bounds = array<i64: 512, 512>}, {transform_indices = @transform_4, window_bounds = array<i64: 512, 512>}]} {
    %get3A = arith.constant 0 : index
    %get3A_0 = arith.constant 0 : index
    %get3A_1 = vector.load %arg1[%get3A, %get3A_0] : memref<512x512xf32, #tpu.memory_space<vmem>>, vector<512x512xf32>
    %get3A_2 = arith.constant 0 : index
    %get3A_3 = arith.constant 0 : index
    %get3A_4 = vector.load %arg2[%get3A_2, %get3A_3] : memref<512x1024xf32, #tpu.memory_space<vmem>>, vector<512x1024xf32>
    %dot_general3A = arith.constant dense<0.000000e+00> : vector<512x1024xf32>
    %dot_general3A_5 = tpu.matmul %get3A_1, %get3A_4, %dot_general3A {dimension_numbers = #tpu.dot_dimension_numbers<[1], [0], [0], [1], [0, 0, 1, 1], [], []>, transpose_lhs_hint = false} : vector<512x512xf32>, vector<512x1024xf32>, vector<512x1024xf32> -> vector<512x1024xf32>
    %bitcast_convert_type3A = tpu.bitcast %dot_general3A_5 : vector<512x1024xf32> -> vector<512x1024xi32>
    %add3A = arith.constant 32767 : i32
    %add3A_6 = vector.broadcast %add3A : i32 to vector<512x1024xi32>
    %add3A_7 = arith.addi %bitcast_convert_type3A, %add3A_6 : vector<512x1024xi32>
    %shift_right_logical3A = arith.constant 16 : i32
    %shift_right_logical3A_8 = vector.broadcast %shift_right_logical3A : i32 to vector<512x1024xi32>
    %shift_right_logical3A_9 = arith.shrui %bitcast_convert_type3A, %shift_right_logical3A_8 : vector<512x1024xi32>
    %and3A = arith.constant 1 : i32
    %and3A_10 = vector.broadcast %and3A : i32 to vector<512x1024xi32>
    %and3A_11 = arith.andi %shift_right_logical3A_9, %and3A_10 : vector<512x1024xi32>
    %add3A_12 = arith.addi %add3A_7, %and3A_11 : vector<512x1024xi32>
    %shift_right_logical3A_13 = arith.constant 16 : i32
    %shift_right_logical3A_14 = vector.broadcast %shift_right_logical3A_13 : i32 to vector<512x1024xi32>
    %shift_right_logical3A_15 = arith.shrui %add3A_12, %shift_right_logical3A_14 : vector<512x1024xi32>
    %slice3A = vector.extract_strided_slice %shift_right_logical3A_15 {offsets = [0, 0], sizes = [512, 512], strides = [1, 1]} : vector<512x1024xi32> to vector<512x512xi32>
    %slice3A_16 = vector.extract_strided_slice %shift_right_logical3A_15 {offsets = [0, 512], sizes = [512, 512], strides = [1, 1]} : vector<512x1024xi32> to vector<512x512xi32>
    %shift_left3A = arith.constant 16 : i32
    %shift_left3A_17 = vector.broadcast %shift_left3A : i32 to vector<512x512xi32>
    %shift_left3A_18 = arith.shli %slice3A_16, %shift_left3A_17 : vector<512x512xi32>
    %or3A = arith.ori %slice3A, %shift_left3A_18 : vector<512x512xi32>
    %bitcast_convert_type3A_19 = tpu.bitcast %or3A : vector<512x512xi32> -> vector<512x512xi32>
    %swap3A = arith.constant 0 : index
    %swap3A_20 = arith.constant 0 : index
    %swap3A_21 = vector.load %arg4[%swap3A, %swap3A_20] : memref<512x512xi32, #tpu.memory_space<vmem>>, vector<512x512xi32>
    tpu.vector_store %arg4[%swap3A, %swap3A_20], %bitcast_convert_type3A_19 {strides = array<i32>} : memref<512x512xi32, #tpu.memory_space<vmem>>, vector<512x512xi32>,
    %get3A_22 = arith.constant 0 : index
    %get3A_23 = arith.constant 0 : index
    %get3A_24 = vector.load %arg3[%get3A_22, %get3A_23] : memref<512x1024xf32, #tpu.memory_space<vmem>>, vector<512x1024xf32>
    %dot_general3A_25 = arith.constant dense<0.000000e+00> : vector<512x1024xf32>
    %dot_general3A_26 = tpu.matmul %get3A_1, %get3A_24, %dot_general3A_25 {dimension_numbers = #tpu.dot_dimension_numbers<[1], [0], [0], [1], [0, 0, 1, 1], [], []>, transpose_lhs_hint = false} : vector<512x512xf32>, vector<512x1024xf32>, vector<512x1024xf32> -> vector<512x1024xf32>
    %bitcast_convert_type3A_27 = tpu.bitcast %dot_general3A_26 : vector<512x1024xf32> -> vector<512x1024xi32>
    %add3A_28 = arith.constant 32767 : i32
    %add3A_29 = vector.broadcast %add3A_28 : i32 to vector<512x1024xi32>
    %add3A_30 = arith.addi %bitcast_convert_type3A_27, %add3A_29 : vector<512x1024xi32>
    %shift_right_logical3A_31 = arith.constant 16 : i32
    %shift_right_logical3A_32 = vector.broadcast %shift_right_logical3A_31 : i32 to vector<512x1024xi32>
    %shift_right_logical3A_33 = arith.shrui %bitcast_convert_type3A_27, %shift_right_logical3A_32 : vector<512x1024xi32>
    %and3A_34 = arith.constant 1 : i32
    %and3A_35 = vector.broadcast %and3A_34 : i32 to vector<512x1024xi32>
    %and3A_36 = arith.andi %shift_right_logical3A_33, %and3A_35 : vector<512x1024xi32>
    %add3A_37 = arith.addi %add3A_30, %and3A_36 : vector<512x1024xi32>
    %shift_right_logical3A_38 = arith.constant 16 : i32
    %shift_right_logical3A_39 = vector.broadcast %shift_right_logical3A_38 : i32 to vector<512x1024xi32>
    %shift_right_logical3A_40 = arith.shrui %add3A_37, %shift_right_logical3A_39 : vector<512x1024xi32>
    %slice3A_41 = vector.extract_strided_slice %shift_right_logical3A_40 {offsets = [0, 0], sizes = [512, 512], strides = [1, 1]} : vector<512x1024xi32> to vector<512x512xi32>
    %slice3A_42 = vector.extract_strided_slice %shift_right_logical3A_40 {offsets = [0, 512], sizes = [512, 512], strides = [1, 1]} : vector<512x1024xi32> to vector<512x512xi32>
    %shift_left3A_43 = arith.constant 16 : i32
    %shift_left3A_44 = vector.broadcast %shift_left3A_43 : i32 to vector<512x512xi32>
    %shift_left3A_45 = arith.shli %slice3A_42, %shift_left3A_44 : vector<512x512xi32>
    %or3A_46 = arith.ori %slice3A_41, %shift_left3A_45 : vector<512x512xi32>
    %bitcast_convert_type3A_47 = tpu.bitcast %or3A_46 : vector<512x512xi32> -> vector<512x512xi32>
    %swap3A_48 = arith.constant 0 : index
    %swap3A_49 = arith.constant 0 : index
    %swap3A_50 = vector.load %arg5[%swap3A_48, %swap3A_49] : memref<512x512xi32, #tpu.memory_space<vmem>>, vector<512x512xi32>
    tpu.vector_store %arg5[%swap3A_48, %swap3A_49], %bitcast_convert_type3A_47 {strides = array<i32>} : memref<512x512xi32, #tpu.memory_space<vmem>>, vector<512x512xi32>,
    return
  }
  func.func @transform_0(%arg0: i32) -> (i32, i32) {
    %c0_i32 = arith.constant 0 : i32
    %c0_i32_0 = arith.constant 0 : i32
    return %arg0, %c0_i32 : i32, i32
  }
  func.func @transform_1(%arg0: i32) -> (i32, i32) {
    %c0_i32 = arith.constant 0 : i32
    %c0_i32_0 = arith.constant 0 : i32
    %c0_i32_1 = arith.constant 0 : i32
    return %c0_i32, %c0_i32_0 : i32, i32
  }
  func.func @transform_2(%arg0: i32) -> (i32, i32) {
    %c0_i32 = arith.constant 0 : i32
    %c0_i32_0 = arith.constant 0 : i32
    %c0_i32_1 = arith.constant 0 : i32
    return %c0_i32, %c0_i32_0 : i32, i32
  }
  func.func @transform_3(%arg0: i32) -> (i32, i32) {
    %c0_i32 = arith.constant 0 : i32
    %c0_i32_0 = arith.constant 0 : i32
    return %arg0, %c0_i32 : i32, i32
  }
  func.func @transform_4(%arg0: i32) -> (i32, i32) {
    %c0_i32 = arith.constant 0 : i32
    %c0_i32_0 = arith.constant 0 : i32
    return %arg0, %c0_i32 : i32, i32
  }
}

module attributes {stable_mosaic.version = 14 : i64} {
  func.func @body(%arg0: i32, %arg1: memref<2048x512xi32, #tpu.memory_space<vmem>>, %arg2: memref<2048x512xi32, #tpu.memory_space<vmem>>, %arg3: memref<2048x5xf32, #tpu.memory_space<vmem>>, %arg4: memref<2048x1xf32, #tpu.memory_space<vmem>>, %arg5: memref<5x1024xf32, #tpu.memory_space<vmem>>, %arg6: memref<1x1024xf32, #tpu.memory_space<vmem>>, %arg7: memref<1x1024xf32, #tpu.memory_space<vmem>>, %arg8: memref<1024x5xf32, #tpu.memory_space<vmem>>, %arg9: memref<1x5xf32, #tpu.memory_space<vmem>>, %arg10: memref<2048x5xf32, #tpu.memory_space<vmem>>, %arg11: memref<2048x5xf32, #tpu.memory_space<vmem>>, %arg12: memref<1x1x2048xf32, #tpu.memory_space<vmem>>, %arg13: memref<1x1xf32, #tpu.memory_space<vmem>>) attributes {dimension_semantics = [#tpu.dimension_semantics<arbitrary>], iteration_bounds = array<i64: 32>, scalar_prefetch = 0 : i64, scratch_operands = 0 : i64, tpu.core_type = #tpu.core_type<tc>, window_params = [{transform_indices = @transform_0, window_bounds = array<i64: 2048, 512>}, {transform_indices = @transform_1, window_bounds = array<i64: 2048, 512>}, {transform_indices = @transform_2, window_bounds = array<i64: 2048, 5>}, {transform_indices = @transform_3, window_bounds = array<i64: 2048, 1>}, {pipeline_mode = #tpu.pipeline_mode<synchronous>, transform_indices = @transform_4, window_bounds = array<i64: 5, 1024>}, {pipeline_mode = #tpu.pipeline_mode<synchronous>, transform_indices = @transform_5, window_bounds = array<i64: 1, 1024>}, {pipeline_mode = #tpu.pipeline_mode<synchronous>, transform_indices = @transform_6, window_bounds = array<i64: 1, 1024>}, {pipeline_mode = #tpu.pipeline_mode<synchronous>, transform_indices = @transform_7, window_bounds = array<i64: 1024, 5>}, {pipeline_mode = #tpu.pipeline_mode<synchronous>, transform_indices = @transform_8, window_bounds = array<i64: 1, 5>}, {transform_indices = @transform_9, window_bounds = array<i64: 2048, 5>}, {transform_indices = @transform_10, window_bounds = array<i64: 2048, 5>}, {transform_indices = @transform_11, window_bounds = array<i64: 1, 1, 2048>}, {pipeline_mode = #tpu.pipeline_mode<synchronous>, transform_indices = @transform_12, window_bounds = array<i64: 1, 1>}]} {
    %get3A = arith.constant 0 : index
    %get3A_0 = arith.constant 0 : index
    %get3A_1 = vector.load %arg3[%get3A, %get3A_0] : memref<2048x5xf32, #tpu.memory_space<vmem>>, vector<2048x5xf32>
    %get3A_2 = arith.constant 0 : index
    %get3A_3 = arith.constant 0 : index
    %get3A_4 = vector.load %arg5[%get3A_2, %get3A_3] : memref<5x1024xf32, #tpu.memory_space<vmem>>, vector<5x1024xf32>
    %dot_general3A = arith.constant dense<0.000000e+00> : vector<2048x1024xf32>
    %dot_general3A_5 = tpu.matmul %get3A_1, %get3A_4, %dot_general3A {dimension_numbers = #tpu.dot_dimension_numbers<[1], [0], [0], [1], [0, 0, 1, 1], [], []>, transpose_lhs_hint = false} : vector<2048x5xf32>, vector<5x1024xf32>, vector<2048x1024xf32> -> vector<2048x1024xf32>
    %get3A_6 = arith.constant 0 : index
    %get3A_7 = arith.constant 0 : index
    %get3A_8 = vector.load %arg4[%get3A_6, %get3A_7] : memref<2048x1xf32, #tpu.memory_space<vmem>>, vector<2048x1xf32>
    %get3A_9 = arith.constant 0 : index
    %get3A_10 = arith.constant 0 : index
    %get3A_11 = vector.load %arg6[%get3A_9, %get3A_10] : memref<1x1024xf32, #tpu.memory_space<vmem>>, vector<1x1024xf32>
    %mul3A = vector.broadcast %get3A_8 : vector<2048x1xf32> to vector<2048x1024xf32>
    %mul3A_12 = vector.broadcast %get3A_11 : vector<1x1024xf32> to vector<2048x1024xf32>
    %mul3A_13 = arith.mulf %mul3A, %mul3A_12 : vector<2048x1024xf32>
    %add3A = arith.addf %dot_general3A_5, %mul3A_13 : vector<2048x1024xf32>
    %get3A_14 = arith.constant 0 : index
    %get3A_15 = arith.constant 0 : index
    %get3A_16 = vector.load %arg1[%get3A_14, %get3A_15] : memref<2048x512xi32, #tpu.memory_space<vmem>>, vector<2048x512xi32>
    %bitcast_convert_type3A = tpu.bitcast %get3A_16 : vector<2048x512xi32> -> vector<2048x512xi32>
    %shift_left3A = arith.constant 16 : i32
    %shift_left3A_17 = vector.broadcast %shift_left3A : i32 to vector<2048x512xi32>
    %shift_left3A_18 = arith.shli %bitcast_convert_type3A, %shift_left3A_17 : vector<2048x512xi32>
    %bitcast_convert_type3A_19 = tpu.bitcast %shift_left3A_18 : vector<2048x512xi32> -> vector<2048x512xf32>
    %and3A = arith.constant -65536 : i32
    %and3A_20 = vector.broadcast %and3A : i32 to vector<2048x512xi32>
    %and3A_21 = arith.andi %bitcast_convert_type3A, %and3A_20 : vector<2048x512xi32>
    %bitcast_convert_type3A_22 = tpu.bitcast %and3A_21 : vector<2048x512xi32> -> vector<2048x512xf32>
    %concatenate3A = tpu.concatenate %bitcast_convert_type3A_19, %bitcast_convert_type3A_22 in 1 : vector<2048x512xf32>, vector<2048x512xf32> -> vector<2048x1024xf32>
    %get3A_23 = arith.constant 0 : index
    %get3A_24 = arith.constant 0 : index
    %get3A_25 = vector.load %arg2[%get3A_23, %get3A_24] : memref<2048x512xi32, #tpu.memory_space<vmem>>, vector<2048x512xi32>
    %bitcast_convert_type3A_26 = tpu.bitcast %get3A_25 : vector<2048x512xi32> -> vector<2048x512xi32>
    %shift_left3A_27 = arith.constant 16 : i32
    %shift_left3A_28 = vector.broadcast %shift_left3A_27 : i32 to vector<2048x512xi32>
    %shift_left3A_29 = arith.shli %bitcast_convert_type3A_26, %shift_left3A_28 : vector<2048x512xi32>
    %bitcast_convert_type3A_30 = tpu.bitcast %shift_left3A_29 : vector<2048x512xi32> -> vector<2048x512xf32>
    %and3A_31 = arith.constant -65536 : i32
    %and3A_32 = vector.broadcast %and3A_31 : i32 to vector<2048x512xi32>
    %and3A_33 = arith.andi %bitcast_convert_type3A_26, %and3A_32 : vector<2048x512xi32>
    %bitcast_convert_type3A_34 = tpu.bitcast %and3A_33 : vector<2048x512xi32> -> vector<2048x512xf32>
    %concatenate3A_35 = tpu.concatenate %bitcast_convert_type3A_30, %bitcast_convert_type3A_34 in 1 : vector<2048x512xf32>, vector<2048x512xf32> -> vector<2048x1024xf32>
    %add3A_36 = arith.addf %concatenate3A, %concatenate3A_35 : vector<2048x1024xf32>
    %add3A_37 = arith.addf %add3A_36, %add3A : vector<2048x1024xf32>
    %get3A_38 = arith.constant 0 : index
    %get3A_39 = arith.constant 0 : index
    %get3A_40 = vector.load %arg7[%get3A_38, %get3A_39] : memref<1x1024xf32, #tpu.memory_space<vmem>>, vector<1x1024xf32>
    %add3A_41 = vector.broadcast %get3A_40 : vector<1x1024xf32> to vector<2048x1024xf32>
    %add3A_42 = arith.addf %add3A_37, %add3A_41 : vector<2048x1024xf32>
    %max3A = arith.constant 0.000000e+00 : f32
    %max3A_43 = vector.broadcast %max3A : f32 to vector<2048x1024xf32>
    %max3A_44 = arith.maximumf %add3A_42, %max3A_43 : vector<2048x1024xf32>
    %get3A_45 = arith.constant 0 : index
    %get3A_46 = arith.constant 0 : index
    %get3A_47 = vector.load %arg8[%get3A_45, %get3A_46] : memref<1024x5xf32, #tpu.memory_space<vmem>>, vector<1024x5xf32>
    %dot_general3A_48 = arith.constant dense<0.000000e+00> : vector<2048x5xf32>
    %dot_general3A_49 = tpu.matmul %max3A_44, %get3A_47, %dot_general3A_48 {dimension_numbers = #tpu.dot_dimension_numbers<[1], [0], [0], [1], [0, 0, 1, 1], [], []>, transpose_lhs_hint = false} : vector<2048x1024xf32>, vector<1024x5xf32>, vector<2048x5xf32> -> vector<2048x5xf32>
    %get3A_50 = arith.constant 0 : index
    %get3A_51 = arith.constant 0 : index
    %get3A_52 = vector.load %arg9[%get3A_50, %get3A_51] : memref<1x5xf32, #tpu.memory_space<vmem>>, vector<1x5xf32>
    %add3A_53 = vector.broadcast %get3A_52 : vector<1x5xf32> to vector<2048x5xf32>
    %add3A_54 = arith.addf %dot_general3A_49, %add3A_53 : vector<2048x5xf32>
    %iota3A = tpu.iota {dimensions = array<i32: 1>} : vector<2048x5xi32>
    %get3A_55 = arith.constant 0 : index
    %get3A_56 = arith.constant 0 : index
    %get3A_57 = vector.load %arg10[%get3A_55, %get3A_56] : memref<2048x5xf32, #tpu.memory_space<vmem>>, vector<2048x5xf32>
    %add3A_58 = arith.addf %add3A_54, %get3A_57 : vector<2048x5xf32>
    %reduce_max3A = arith.constant dense<0xFF800000> : vector<2048xf32>
    %reduce_max3A_59 = vector.multi_reduction <maximumf>, %add3A_58, %reduce_max3A [1] : vector<2048x5xf32> to vector<2048xf32>
    %broadcast_in_dim3A = vector.shape_cast %reduce_max3A_59 : vector<2048xf32> to vector<2048x1xf32>
    %ge3A = vector.broadcast %broadcast_in_dim3A : vector<2048x1xf32> to vector<2048x5xf32>
    %ge3A_60 = arith.cmpf oge, %add3A_58, %ge3A : vector<2048x5xf32>
    %jit3A = arith.constant 5 : i32
    %broadcast_in_dim3A_61 = vector.broadcast %jit3A : i32 to vector<2048x5xi32>
    %select_n3A = arith.select %ge3A_60, %iota3A, %broadcast_in_dim3A_61 : vector<2048x5xi1>, vector<2048x5xi32>
    %reduce_min3A = arith.constant dense<2147483647> : vector<2048xi32>
    %reduce_min3A_62 = vector.multi_reduction <minsi>, %select_n3A, %reduce_min3A [1] : vector<2048x5xi32> to vector<2048xi32>
    %ne3A = arith.constant 0 : i32
    %ne3A_63 = vector.broadcast %ne3A : i32 to vector<2048xi32>
    %ne3A_64 = arith.cmpi ne, %reduce_min3A_62, %ne3A_63 : vector<2048xi32>
    %convert_element_type3A = arith.extui %ne3A_64 : vector<2048xi1> to vector<2048xi32>
    %convert_element_type3A_65 = arith.sitofp %convert_element_type3A : vector<2048xi32> to vector<2048xf32>
    %broadcast_in_dim3A_66 = vector.shape_cast %convert_element_type3A_65 : vector<2048xf32> to vector<1x1x2048xf32>
    %swap3A = arith.constant 0 : index
    %swap3A_67 = arith.constant 0 : index
    %swap3A_68 = arith.constant 0 : index
    %swap3A_69 = vector.load %arg12[%swap3A, %swap3A_67, %swap3A_68] : memref<1x1x2048xf32, #tpu.memory_space<vmem>>, vector<1x1x2048xf32>
    tpu.vector_store %arg12[%swap3A, %swap3A_67, %swap3A_68], %broadcast_in_dim3A_66 {strides = array<i32>} : memref<1x1x2048xf32, #tpu.memory_space<vmem>>, vector<1x1x2048xf32>,
    %get3A_70 = arith.constant 0 : index
    %get3A_71 = arith.constant 0 : index
    %get3A_72 = vector.load %arg11[%get3A_70, %get3A_71] : memref<2048x5xf32, #tpu.memory_space<vmem>>, vector<2048x5xf32>
    %reduce_max3A_73 = arith.constant dense<0xFF800000> : vector<2048xf32>
    %reduce_max3A_74 = vector.multi_reduction <maximumf>, %get3A_72, %reduce_max3A_73 [1] : vector<2048x5xf32> to vector<2048xf32>
    %broadcast_in_dim3A_75 = vector.shape_cast %reduce_max3A_74 : vector<2048xf32> to vector<2048x1xf32>
    %ge3A_76 = vector.broadcast %broadcast_in_dim3A_75 : vector<2048x1xf32> to vector<2048x5xf32>
    %ge3A_77 = arith.cmpf oge, %get3A_72, %ge3A_76 : vector<2048x5xf32>
    %jit3A_78 = arith.constant 5 : i32
    %broadcast_in_dim3A_79 = vector.broadcast %jit3A_78 : i32 to vector<2048x5xi32>
    %select_n3A_80 = arith.select %ge3A_77, %iota3A, %broadcast_in_dim3A_79 : vector<2048x5xi1>, vector<2048x5xi32>
    %reduce_min3A_81 = arith.constant dense<2147483647> : vector<2048xi32>
    %reduce_min3A_82 = vector.multi_reduction <minsi>, %select_n3A_80, %reduce_min3A_81 [1] : vector<2048x5xi32> to vector<2048xi32>
    %reduce_max3A_83 = arith.constant dense<0xFF800000> : vector<2048xf32>
    %reduce_max3A_84 = vector.multi_reduction <maximumf>, %add3A_54, %reduce_max3A_83 [1] : vector<2048x5xf32> to vector<2048xf32>
    %broadcast_in_dim3A_85 = vector.shape_cast %reduce_max3A_84 : vector<2048xf32> to vector<2048x1xf32>
    %sub3A = vector.broadcast %broadcast_in_dim3A_85 : vector<2048x1xf32> to vector<2048x5xf32>
    %sub3A_86 = arith.subf %add3A_54, %sub3A : vector<2048x5xf32>
    %exp3A = math.exp %sub3A_86 : vector<2048x5xf32>
    %reduce_sum3A = arith.constant dense<0.000000e+00> : vector<2048xf32>
    %reduce_sum3A_87 = vector.multi_reduction <add>, %exp3A, %reduce_sum3A [1] : vector<2048x5xf32> to vector<2048xf32>
    %log3A = math.log %reduce_sum3A_87 : vector<2048xf32>
    %squeeze3A = vector.shape_cast %broadcast_in_dim3A_85 : vector<2048x1xf32> to vector<2048xf32>
    %add3A_88 = arith.addf %log3A, %squeeze3A : vector<2048xf32>
    %broadcast_in_dim3A_89 = vector.shape_cast %reduce_min3A_82 : vector<2048xi32> to vector<2048x1xi32>
    %eq3A = vector.broadcast %broadcast_in_dim3A_89 : vector<2048x1xi32> to vector<2048x5xi32>
    %eq3A_90 = arith.cmpi eq, %iota3A, %eq3A : vector<2048x5xi32>
    %jit3A_91 = arith.constant 0.000000e+00 : f32
    %broadcast_in_dim3A_92 = vector.broadcast %jit3A_91 : f32 to vector<2048x5xf32>
    %select_n3A_93 = arith.select %eq3A_90, %add3A_54, %broadcast_in_dim3A_92 : vector<2048x5xi1>, vector<2048x5xf32>
    %reduce_sum3A_94 = arith.constant dense<0.000000e+00> : vector<2048xf32>
    %reduce_sum3A_95 = vector.multi_reduction <add>, %select_n3A_93, %reduce_sum3A_94 [1] : vector<2048x5xf32> to vector<2048xf32>
    %sub3A_96 = arith.subf %reduce_sum3A_95, %add3A_88 : vector<2048xf32>
    %reduce_sum3A_97 = vector.shape_cast %sub3A_96 : vector<2048xf32> to vector<1x2048xf32>
    %reduce_sum3A_98 = arith.constant dense<0.000000e+00> : vector<1xf32>
    %reduce_sum3A_99 = vector.multi_reduction <add>, %reduce_sum3A_97, %reduce_sum3A_98 [1] : vector<1x2048xf32> to vector<1xf32>
    %reduce_sum3A_100 = vector.shape_cast %reduce_sum3A_99 : vector<1xf32> to vector<1x1xf32>
    %reduce_sum3A_101 = vector.extract %reduce_sum3A_100[0, 0] : f32 from vector<1x1xf32>
    %neg3A = arith.constant 0.000000e+00 : f32
    %neg3A_102 = arith.subf %neg3A, %reduce_sum3A_101 : f32
    %mul3A_103 = arith.constant 1.52587891E-5 : f32
    %mul3A_104 = arith.mulf %neg3A_102, %mul3A_103 : f32
    %eq3A_105 = arith.constant 0 : i32
    %eq3A_106 = arith.cmpi eq, %arg0, %eq3A_105 : i32
    %convert_element_type3A_107 = arith.extui %eq3A_106 : i1 to i32
    %cond3A = arith.constant 0 : i32
    %cond3A_108 = arith.cmpi ne, %convert_element_type3A_107, %cond3A : i32
    scf.if %cond3A_108 {
      %broadcast_in_dim3A_117 = arith.constant 0.000000e+00 : f32
      %broadcast_in_dim3A_118 = vector.broadcast %broadcast_in_dim3A_117 : f32 to vector<1x1xf32>
      %swap3A_119 = arith.constant 0 : index
      %swap3A_120 = arith.constant 0 : index
      %swap3A_121 = vector.load %arg13[%swap3A_119, %swap3A_120] : memref<1x1xf32, #tpu.memory_space<vmem>>, vector<1x1xf32>
      tpu.vector_store %arg13[%swap3A_119, %swap3A_120], %broadcast_in_dim3A_118 {strides = array<i32>} : memref<1x1xf32, #tpu.memory_space<vmem>>, vector<1x1xf32>,
    } else {
    }
    %get3A_109 = arith.constant 0 : index
    %get3A_110 = arith.constant 0 : index
    %get3A_111 = vector.load %arg13[%get3A_109, %get3A_110] : memref<1x1xf32, #tpu.memory_space<vmem>>, vector<1x1xf32>
    %broadcast_in_dim3A_112 = vector.broadcast %mul3A_104 : f32 to vector<1x1xf32>
    %add3A_113 = arith.addf %get3A_111, %broadcast_in_dim3A_112 : vector<1x1xf32>
    %swap3A_114 = arith.constant 0 : index
    %swap3A_115 = arith.constant 0 : index
    %swap3A_116 = vector.load %arg13[%swap3A_114, %swap3A_115] : memref<1x1xf32, #tpu.memory_space<vmem>>, vector<1x1xf32>
    tpu.vector_store %arg13[%swap3A_114, %swap3A_115], %add3A_113 {strides = array<i32>} : memref<1x1xf32, #tpu.memory_space<vmem>>, vector<1x1xf32>,
    return
  }
  func.func @transform_0(%arg0: i32) -> (i32, i32) {
    %c0_i32 = arith.constant 0 : i32
    %c0_i32_0 = arith.constant 0 : i32
    return %arg0, %c0_i32 : i32, i32
  }
  func.func @transform_1(%arg0: i32) -> (i32, i32) {
    %c0_i32 = arith.constant 0 : i32
    %c0_i32_0 = arith.constant 0 : i32
    return %arg0, %c0_i32 : i32, i32
  }
  func.func @transform_2(%arg0: i32) -> (i32, i32) {
    %c0_i32 = arith.constant 0 : i32
    %c0_i32_0 = arith.constant 0 : i32
    return %arg0, %c0_i32 : i32, i32
  }
  func.func @transform_3(%arg0: i32) -> (i32, i32) {
    %c0_i32 = arith.constant 0 : i32
    %c0_i32_0 = arith.constant 0 : i32
    return %arg0, %c0_i32 : i32, i32
  }
  func.func @transform_4(%arg0: i32) -> (i32, i32) {
    %c0_i32 = arith.constant 0 : i32
    %c0_i32_0 = arith.constant 0 : i32
    %c0_i32_1 = arith.constant 0 : i32
    return %c0_i32, %c0_i32_0 : i32, i32
  }
  func.func @transform_5(%arg0: i32) -> (i32, i32) {
    %c0_i32 = arith.constant 0 : i32
    %c0_i32_0 = arith.constant 0 : i32
    %c0_i32_1 = arith.constant 0 : i32
    return %c0_i32, %c0_i32_0 : i32, i32
  }
  func.func @transform_6(%arg0: i32) -> (i32, i32) {
    %c0_i32 = arith.constant 0 : i32
    %c0_i32_0 = arith.constant 0 : i32
    %c0_i32_1 = arith.constant 0 : i32
    return %c0_i32, %c0_i32_0 : i32, i32
  }
  func.func @transform_7(%arg0: i32) -> (i32, i32) {
    %c0_i32 = arith.constant 0 : i32
    %c0_i32_0 = arith.constant 0 : i32
    %c0_i32_1 = arith.constant 0 : i32
    return %c0_i32, %c0_i32_0 : i32, i32
  }
  func.func @transform_8(%arg0: i32) -> (i32, i32) {
    %c0_i32 = arith.constant 0 : i32
    %c0_i32_0 = arith.constant 0 : i32
    %c0_i32_1 = arith.constant 0 : i32
    return %c0_i32, %c0_i32_0 : i32, i32
  }
  func.func @transform_9(%arg0: i32) -> (i32, i32) {
    %c0_i32 = arith.constant 0 : i32
    %c0_i32_0 = arith.constant 0 : i32
    return %arg0, %c0_i32 : i32, i32
  }
  func.func @transform_10(%arg0: i32) -> (i32, i32) {
    %c0_i32 = arith.constant 0 : i32
    %c0_i32_0 = arith.constant 0 : i32
    return %arg0, %c0_i32 : i32, i32
  }
  func.func @transform_11(%arg0: i32) -> (i32, i32, i32) {
    %c0_i32 = arith.constant 0 : i32
    %c0_i32_0 = arith.constant 0 : i32
    %c0_i32_1 = arith.constant 0 : i32
    return %arg0, %c0_i32, %c0_i32_0 : i32, i32, i32
  }
  func.func @transform_12(%arg0: i32) -> (i32, i32) {
    %c0_i32 = arith.constant 0 : i32
    %c0_i32_0 = arith.constant 0 : i32
    %c0_i32_1 = arith.constant 0 : i32
    return %c0_i32, %c0_i32_0 : i32, i32
  }
}

module attributes {stable_mosaic.version = 14 : i64} {
  func.func @body(%arg0: i32, %arg1: memref<256x4096xf32, #tpu.memory_space<vmem>>, %arg2: memref<4096x512xf32, #tpu.memory_space<vmem>>, %arg3: memref<512x1024xf32, #tpu.memory_space<vmem>>, %arg4: memref<1024x10xf32, #tpu.memory_space<vmem>>, %arg5: memref<1x1x256xi32, #tpu.memory_space<vmem>>, %arg6: memref<1x1xf32, #tpu.memory_space<vmem>>) attributes {dimension_semantics = [#tpu.dimension_semantics<arbitrary>], iteration_bounds = array<i64: 16>, scalar_prefetch = 0 : i64, scratch_operands = 0 : i64, tpu.core_type = #tpu.core_type<tc>, window_params = [{transform_indices = @transform_0, window_bounds = array<i64: 256, 4096>}, {pipeline_mode = #tpu.pipeline_mode<synchronous>, transform_indices = @transform_1, window_bounds = array<i64: 4096, 512>}, {pipeline_mode = #tpu.pipeline_mode<synchronous>, transform_indices = @transform_2, window_bounds = array<i64: 512, 1024>}, {pipeline_mode = #tpu.pipeline_mode<synchronous>, transform_indices = @transform_3, window_bounds = array<i64: 1024, 10>}, {transform_indices = @transform_4, window_bounds = array<i64: 1, 1, 256>}, {pipeline_mode = #tpu.pipeline_mode<synchronous>, transform_indices = @transform_5, window_bounds = array<i64: 1, 1>}]} {
    %get3A = arith.constant 0 : index
    %get3A_0 = arith.constant 0 : index
    %get3A_1 = vector.load %arg1[%get3A, %get3A_0] : memref<256x4096xf32, #tpu.memory_space<vmem>>, vector<256x4096xf32>
    %iota3A = tpu.iota {dimensions = array<i32: 0>} : vector<256x4096xi32>
    %mul3A = arith.constant 256 : i32
    %mul3A_2 = arith.muli %arg0, %mul3A : i32
    %add3A = vector.broadcast %mul3A_2 : i32 to vector<256x4096xi32>
    %add3A_3 = arith.addi %iota3A, %add3A : vector<256x4096xi32>
    %iota3A_4 = tpu.iota {dimensions = array<i32: 1>} : vector<256x4096xi32>
    %eq3A = arith.cmpi eq, %add3A_3, %iota3A_4 : vector<256x4096xi32>
    %convert_element_type3A = arith.extui %eq3A : vector<256x4096xi1> to vector<256x4096xi32>
    %convert_element_type3A_5 = arith.sitofp %convert_element_type3A : vector<256x4096xi32> to vector<256x4096xf32>
    %max3A = arith.maximumf %get3A_1, %convert_element_type3A_5 : vector<256x4096xf32>
    %convert_element_type3A_6 = arith.truncf %max3A : vector<256x4096xf32> to vector<256x4096xbf16>
    %get3A_7 = arith.constant 0 : index
    %get3A_8 = arith.constant 0 : index
    %get3A_9 = vector.load %arg2[%get3A_7, %get3A_8] : memref<4096x512xf32, #tpu.memory_space<vmem>>, vector<4096x512xf32>
    %convert_element_type3A_10 = arith.truncf %get3A_9 : vector<4096x512xf32> to vector<4096x512xbf16>
    %dot_general3A = arith.constant dense<0.000000e+00> : vector<256x512xf32>
    %dot_general3A_11 = tpu.matmul %convert_element_type3A_6, %convert_element_type3A_10, %dot_general3A {dimension_numbers = #tpu.dot_dimension_numbers<[1], [0], [0], [1], [0, 0, 1, 1], [], []>, transpose_lhs_hint = false} : vector<256x4096xbf16>, vector<4096x512xbf16>, vector<256x512xf32> -> vector<256x512xf32>
    %convert_element_type3A_12 = arith.truncf %dot_general3A_11 : vector<256x512xf32> to vector<256x512xbf16>
    %get3A_13 = arith.constant 0 : index
    %get3A_14 = arith.constant 0 : index
    %get3A_15 = vector.load %arg3[%get3A_13, %get3A_14] : memref<512x1024xf32, #tpu.memory_space<vmem>>, vector<512x1024xf32>
    %convert_element_type3A_16 = arith.truncf %get3A_15 : vector<512x1024xf32> to vector<512x1024xbf16>
    %dot_general3A_17 = arith.constant dense<0.000000e+00> : vector<256x1024xf32>
    %dot_general3A_18 = tpu.matmul %convert_element_type3A_12, %convert_element_type3A_16, %dot_general3A_17 {dimension_numbers = #tpu.dot_dimension_numbers<[1], [0], [0], [1], [0, 0, 1, 1], [], []>, transpose_lhs_hint = false} : vector<256x512xbf16>, vector<512x1024xbf16>, vector<256x1024xf32> -> vector<256x1024xf32>
    %max3A_19 = arith.constant 0.000000e+00 : f32
    %max3A_20 = vector.broadcast %max3A_19 : f32 to vector<256x1024xf32>
    %max3A_21 = arith.maximumf %dot_general3A_18, %max3A_20 : vector<256x1024xf32>
    %convert_element_type3A_22 = arith.truncf %max3A_21 : vector<256x1024xf32> to vector<256x1024xbf16>
    %get3A_23 = arith.constant 0 : index
    %get3A_24 = arith.constant 0 : index
    %get3A_25 = vector.load %arg4[%get3A_23, %get3A_24] : memref<1024x10xf32, #tpu.memory_space<vmem>>, vector<1024x10xf32>
    %convert_element_type3A_26 = arith.truncf %get3A_25 : vector<1024x10xf32> to vector<1024x10xbf16>
    %dot_general3A_27 = arith.constant dense<0.000000e+00> : vector<256x10xf32>
    %dot_general3A_28 = tpu.matmul %convert_element_type3A_22, %convert_element_type3A_26, %dot_general3A_27 {dimension_numbers = #tpu.dot_dimension_numbers<[1], [0], [0], [1], [0, 0, 1, 1], [], []>, transpose_lhs_hint = false} : vector<256x1024xbf16>, vector<1024x10xbf16>, vector<256x10xf32> -> vector<256x10xf32>
    %get3A_29 = arith.constant 0 : index
    %get3A_30 = arith.constant 0 : index
    %get3A_31 = arith.constant 0 : index
    %get3A_32 = vector.load %arg5[%get3A_29, %get3A_30, %get3A_31] : memref<1x1x256xi32, #tpu.memory_space<vmem>>, vector<1x1x256xi32>
    %get3A_33 = vector.shape_cast %get3A_32 : vector<1x1x256xi32> to vector<256xi32>
    %reduce_max3A = arith.constant dense<0xFF800000> : vector<256xf32>
    %reduce_max3A_34 = vector.multi_reduction <maximumf>, %dot_general3A_28, %reduce_max3A [1] : vector<256x10xf32> to vector<256xf32>
    %broadcast_in_dim3A = vector.shape_cast %reduce_max3A_34 : vector<256xf32> to vector<256x1xf32>
    %sub3A = vector.broadcast %broadcast_in_dim3A : vector<256x1xf32> to vector<256x10xf32>
    %sub3A_35 = arith.subf %dot_general3A_28, %sub3A : vector<256x10xf32>
    %exp3A = math.exp %sub3A_35 : vector<256x10xf32>
    %reduce_sum3A = arith.constant dense<0.000000e+00> : vector<256xf32>
    %reduce_sum3A_36 = vector.multi_reduction <add>, %exp3A, %reduce_sum3A [1] : vector<256x10xf32> to vector<256xf32>
    %log3A = math.log %reduce_sum3A_36 : vector<256xf32>
    %squeeze3A = vector.shape_cast %broadcast_in_dim3A : vector<256x1xf32> to vector<256xf32>
    %add3A_37 = arith.addf %log3A, %squeeze3A : vector<256xf32>
    %iota3A_38 = tpu.iota {dimensions = array<i32: 1>} : vector<256x10xi32>
    %broadcast_in_dim3A_39 = vector.shape_cast %get3A_33 : vector<256xi32> to vector<256x1xi32>
    %eq3A_40 = vector.broadcast %broadcast_in_dim3A_39 : vector<256x1xi32> to vector<256x10xi32>
    %eq3A_41 = arith.cmpi eq, %iota3A_38, %eq3A_40 : vector<256x10xi32>
    %jit3A = arith.constant 0.000000e+00 : f32
    %broadcast_in_dim3A_42 = vector.broadcast %jit3A : f32 to vector<256x10xf32>
    %select_n3A = arith.select %eq3A_41, %dot_general3A_28, %broadcast_in_dim3A_42 : vector<256x10xi1>, vector<256x10xf32>
    %reduce_sum3A_43 = arith.constant dense<0.000000e+00> : vector<256xf32>
    %reduce_sum3A_44 = vector.multi_reduction <add>, %select_n3A, %reduce_sum3A_43 [1] : vector<256x10xf32> to vector<256xf32>
    %sub3A_45 = arith.subf %reduce_sum3A_44, %add3A_37 : vector<256xf32>
    %reduce_sum3A_46 = vector.shape_cast %sub3A_45 : vector<256xf32> to vector<1x256xf32>
    %reduce_sum3A_47 = arith.constant dense<0.000000e+00> : vector<1xf32>
    %reduce_sum3A_48 = vector.multi_reduction <add>, %reduce_sum3A_46, %reduce_sum3A_47 [1] : vector<1x256xf32> to vector<1xf32>
    %reduce_sum3A_49 = vector.shape_cast %reduce_sum3A_48 : vector<1xf32> to vector<1x1xf32>
    %reduce_sum3A_50 = vector.extract %reduce_sum3A_49[0, 0] : f32 from vector<1x1xf32>
    %neg3A = arith.constant 0.000000e+00 : f32
    %neg3A_51 = arith.subf %neg3A, %reduce_sum3A_50 : f32
    %mul3A_52 = arith.constant 2.44140625E-4 : f32
    %mul3A_53 = arith.mulf %neg3A_51, %mul3A_52 : f32
    %eq3A_54 = arith.constant 0 : i32
    %eq3A_55 = arith.cmpi eq, %arg0, %eq3A_54 : i32
    %convert_element_type3A_56 = arith.extui %eq3A_55 : i1 to i32
    %cond3A = arith.constant 0 : i32
    %cond3A_57 = arith.cmpi ne, %convert_element_type3A_56, %cond3A : i32
    scf.if %cond3A_57 {
      %broadcast_in_dim3A_65 = arith.constant 0.000000e+00 : f32
      %broadcast_in_dim3A_66 = vector.broadcast %broadcast_in_dim3A_65 : f32 to vector<1x1xf32>
      %swap3A_67 = arith.constant 0 : index
      %swap3A_68 = arith.constant 0 : index
      %swap3A_69 = vector.load %arg6[%swap3A_67, %swap3A_68] : memref<1x1xf32, #tpu.memory_space<vmem>>, vector<1x1xf32>
      tpu.vector_store %arg6[%swap3A_67, %swap3A_68], %broadcast_in_dim3A_66 {strides = array<i32>} : memref<1x1xf32, #tpu.memory_space<vmem>>, vector<1x1xf32>,
    } else {
    }
    %get3A_58 = arith.constant 0 : index
    %get3A_59 = arith.constant 0 : index
    %get3A_60 = vector.load %arg6[%get3A_58, %get3A_59] : memref<1x1xf32, #tpu.memory_space<vmem>>, vector<1x1xf32>
    %broadcast_in_dim3A_61 = vector.broadcast %mul3A_53 : f32 to vector<1x1xf32>
    %add3A_62 = arith.addf %get3A_60, %broadcast_in_dim3A_61 : vector<1x1xf32>
    %swap3A = arith.constant 0 : index
    %swap3A_63 = arith.constant 0 : index
    %swap3A_64 = vector.load %arg6[%swap3A, %swap3A_63] : memref<1x1xf32, #tpu.memory_space<vmem>>, vector<1x1xf32>
    tpu.vector_store %arg6[%swap3A, %swap3A_63], %add3A_62 {strides = array<i32>} : memref<1x1xf32, #tpu.memory_space<vmem>>, vector<1x1xf32>,
    return
  }
  func.func @transform_0(%arg0: i32) -> (i32, i32) {
    %c0_i32 = arith.constant 0 : i32
    %c0_i32_0 = arith.constant 0 : i32
    return %arg0, %c0_i32 : i32, i32
  }
  func.func @transform_1(%arg0: i32) -> (i32, i32) {
    %c0_i32 = arith.constant 0 : i32
    %c0_i32_0 = arith.constant 0 : i32
    %c0_i32_1 = arith.constant 0 : i32
    return %c0_i32, %c0_i32_0 : i32, i32
  }
  func.func @transform_2(%arg0: i32) -> (i32, i32) {
    %c0_i32 = arith.constant 0 : i32
    %c0_i32_0 = arith.constant 0 : i32
    %c0_i32_1 = arith.constant 0 : i32
    return %c0_i32, %c0_i32_0 : i32, i32
  }
  func.func @transform_3(%arg0: i32) -> (i32, i32) {
    %c0_i32 = arith.constant 0 : i32
    %c0_i32_0 = arith.constant 0 : i32
    %c0_i32_1 = arith.constant 0 : i32
    return %c0_i32, %c0_i32_0 : i32, i32
  }
  func.func @transform_4(%arg0: i32) -> (i32, i32, i32) {
    %c0_i32 = arith.constant 0 : i32
    %c0_i32_0 = arith.constant 0 : i32
    %c0_i32_1 = arith.constant 0 : i32
    return %arg0, %c0_i32, %c0_i32_0 : i32, i32, i32
  }
  func.func @transform_5(%arg0: i32) -> (i32, i32) {
    %c0_i32 = arith.constant 0 : i32
    %c0_i32_0 = arith.constant 0 : i32
    %c0_i32_1 = arith.constant 0 : i32
    return %c0_i32, %c0_i32_0 : i32, i32
  }
}

</mosaic_0001>

<sc_bundles>
// kernel: kernel.10.cloned.1.call-start
scs
__scs_entry_jumppad:
0x0: {  	(pc) =	sbr.rel $0x88, $3  }
0x1: {  	(tag) =	ssettag $0x0;
	lr =	simm.s32 $0x1  }
0x2: {  	[smem:$0x3F94] =	sst lr;
	_ =	strace $0xD0000000  }
0x3: {  	_ = 	snop  }
0x4: {  	_ = 	snop  }
0x5: {  	_ = 	snop  }
0x6: {  	_ = 	snop  }
0x7: {  	_ = 	snop  }
__scs_overlays_trampoline_lowered:
0x8: {  	[smem:$0x3FA3] =	sst s0  }
0x9: {  	[smem:$0x3FA4] =	sst s1  }
0xa: {  	[smem:$0x3FA5] =	sst s2  }
0xb: {  	[smem:$0x3FA6] =	sst s3  }
0xc: {  	[smem:$0x3FA7] =	sst s4  }
0xd: {  	[smem:$0x3FA8] =	sst s5  }
0xe: {  	[smem:$0x3FA9] =	sst s6  }
0xf: {  	[smem:$0x3FAA] =	sst s7  }
0x10: {  	[smem:$0x3FAB] =	sst s8  }
0x11: {  	[smem:$0x3FAC] =	sst s9;
	s0 =	simm.s32 @!p0 $0x0  }
0x12: {  	s1 =	sld [smem:$0x3F92];
	s0 =	simm.s32 @p0 $0x1  }
0x13: {  	[smem:$0x3FAD] =	sst s0;
	s0 =	simm.s32 @!p1 $0x0  }
0x14: {  	s2 =	sld [smem:$0x3F91];
	s0 =	simm.s32 @p1 $0x1  }
0x15: {  	[smem:$0x3FAE] =	sst s0;
	s0 =	simm.s32 @!p2 $0x0  }
0x16: {  	s3 =	sld [smem:$0x3FDB];
	s0 =	simm.s32 @p2 $0x1  }
0x17: {  	s4 =	simm.s32 $0x1BF5;
	[smem:$0x3FB0] =	sst s0  }
0x18: {  	s0 =	sld [smem:$0x3F93];
	_ =	swait.ge [sflag:s4], $0x0  }
0x19: {  	s7 =	sld [smem:$0x3F94]  }
0x1a: {  	s8 =	sadd.s32 $0xFFFFE003, lr  }
0x1b: {  	s9 =	sadd.s32 $0xFFFFFEF7, lr;
	s5 =	simm.s32 $0xFFFFFFFF;
	p2 =	slt.u32 s8, $0xFFFFF086  }
0x1c: {  	p1 =	slt.u32 s9, $0xF7A;
	s5 =	simm.s32 @!p2 $0x0  }
0x1d: {  	s5 =	simm.s32 @p1 $0x1;
	p0 =	seq.s32 s7, s2  }
0x1e: {  	s7 =	smul.u32 @!p0 $0xF7A, s2;
	p2 =	seq.s32 @!p0 s5, $0x0  }
0x1f: {  	s9 =	smul.u32 $0xF7A, s1;
	s8 =	simm.s32 @!p0 $0x1BF5;
	p2 =	por !p2, p0  }
0x20: {  	[sflag:s8] =	ssyncset.s32 @!p0 $0xFFFFF086;
	s6 =	sadd.s32 @!p0 s3, s7;
	s7 =	simm.s32 @!p0 $0x108  }
0x21: {  	s3 =	sadd.s32 s3, s9;
	s6 =	sadd.s32 @!p0 $0x88, s6;
	s7 =	simm.s32 @p2 $0x1082  }
0x22: {  	[simem:s7], [sflag:s8] =	dma.local @!p0 [hbm:s6], $0xF7A  }
0x23: {  	s9 =	sor.u32 $0xD0000000, s2;
	s6 =	simm.s32 $0x108;
	_ =	swait.ge @!p0 [sflag:s8], $0x0  }
0x24: {  	s3 =	sadd.s32 $0x88, s3;
	s6 =	simm.s32 @!p1 $0x1082;
	[sflag:s4] =	ssyncset.s32 $0xFFFFF086  }
0x25: {  	[simem:s6], [sflag:s4] =	dma.local [hbm:s3], $0xF7A  }
0x26: {  	[smem:$0x3F94] =	sst s1;
	(tag) =	ssettag s2;
	_ =	strace s9  }
0x27: {  	s1 =	sld [smem:$0x3FA4]  }
0x28: {  	s2 =	sld [smem:$0x3FA5]  }
0x29: {  	s4 =	sld [smem:$0x3FA7]  }
0x2a: {  	p0 =	seq.s32 s5, $0x0;
	s5 =	sld [smem:$0x3FA8]  }
0x2b: {  	s6 =	sld [smem:$0x3FA9]  }
0x2c: {  	s7 =	sld [smem:$0x3FAA]  }
0x2d: {  	s3 =	simm.s32 $0x108;
	s8 =	sld [smem:$0x3FAB]  }
0x2e: {  	s3 =	simm.s32 @!p0 $0x1082;
	s9 =	sld [smem:$0x3FAC]  }
0x2f: {  	lr =	sadd.s32 s0, s3;
	s0 =	sld [smem:$0x3FA3]  }
0x30: {  	s3 =	sld [smem:$0x3FA6]  }
0x31: {  	[smem:$0x3FAF] =	sst s10  }
0x32: {  	s10 =	sld [smem:$0x3FAD];
	_ =	sdelay $0x3  }
0x33: {  	p0 =	seq.s32 s10, $0x1;
	s10 =	sld [smem:$0x3FAF];
	_ =	sdelay $0x3  }
0x34: {  	[smem:$0x3FAF] =	sst s10  }
0x35: {  	s10 =	sld [smem:$0x3FAE];
	_ =	sdelay $0x3  }
0x36: {  	p1 =	seq.s32 s10, $0x1;
	s10 =	sld [smem:$0x3FAF];
	_ =	sdelay $0x3  }
0x37: {  	[smem:$0x3FAF] =	sst s10  }
0x38: {  	s10 =	sld [smem:$0x3FB0]  }
0x39: {  	_ = 	snop;
	(pc) =	sbr.ind lr, $3  }
0x3a: {  	_ = 	snop  }
0x3b: {  	_ = 	snop  }
0x3c: {  	p2 =	seq.s32 s10, $0x1;
	s10 =	sld [smem:$0x3FAF]  }
0x3d: {  	_ =	shalt  }
0x3e: {  	_ =	shalt  }
0x3f: {  	_ =	shalt  }
0x40: {  	_ =	shalt  }
0x41: {  	_ =	shalt  }
0x42: {  	_ =	shalt  }
0x43: {  	_ =	shalt  }
0x44: {  	_ =	shalt  }
0x45: {  	_ =	shalt  }
0x46: {  	_ =	shalt  }
0x47: {  	_ =	shalt  }
0x48: {  	_ =	shalt  }
0x49: {  	_ =	shalt  }
0x4a: {  	_ =	shalt  }
0x4b: {  	_ =	shalt  }
0x4c: {  	_ =	shalt  }
0x4d: {  	_ =	shalt  }
0x4e: {  	_ =	shalt  }
0x4f: {  	_ =	shalt  }
0x50: {  	_ =	shalt  }
0x51: {  	_ =	shalt  }
0x52: {  	_ =	shalt  }
0x53: {  	_ =	shalt  }
0x54: {  	_ =	shalt  }
0x55: {  	_ =	shalt  }
0x56: {  	_ =	shalt  }
0x57: {  	_ =	shalt  }
0x58: {  	_ =	shalt  }
0x59: {  	_ =	shalt  }
0x5a: {  	_ =	shalt  }
0x5b: {  	_ =	shalt  }
0x5c: {  	_ =	shalt  }
0x5d: {  	_ =	shalt  }
0x5e: {  	_ =	shalt  }
0x5f: {  	_ =	shalt  }
0x60: {  	_ =	shalt  }
0x61: {  	_ =	shalt  }
0x62: {  	_ =	shalt  }
0x63: {  	_ =	shalt  }
0x64: {  	_ =	shalt  }
0x65: {  	_ =	shalt  }
0x66: {  	_ =	shalt  }
0x67: {  	_ =	shalt  }
0x68: {  	_ =	shalt  }
0x69: {  	_ =	shalt  }
0x6a: {  	_ =	shalt  }
0x6b: {  	_ =	shalt  }
0x6c: {  	_ =	shalt  }
0x6d: {  	_ =	shalt  }
0x6e: {  	_ =	shalt  }
0x6f: {  	_ =	shalt  }
0x70: {  	_ =	shalt  }
0x71: {  	_ =	shalt  }
0x72: {  	_ =	shalt  }
0x73: {  	_ =	shalt  }
0x74: {  	_ =	shalt  }
0x75: {  	_ =	shalt  }
0x76: {  	_ =	shalt  }
0x77: {  	_ =	shalt  }
0x78: {  	_ =	shalt  }
0x79: {  	_ =	shalt  }
0x7a: {  	_ =	shalt  }
0x7b: {  	_ =	shalt  }
0x7c: {  	_ =	shalt  }
0x7d: {  	_ =	shalt  }
0x7e: {  	_ =	shalt  }
0x7f: {  	_ =	shalt  }
0x80: {  	_ =	shalt  }
0x81: {  	_ =	shalt  }
0x82: {  	_ =	shalt  }
0x83: {  	_ =	shalt  }
0x84: {  	_ =	shalt  }
0x85: {  	_ =	shalt  }
0x86: {  	_ =	shalt  }
0x87: {  	_ =	shalt  }
.Lfunc_end0:
.L_simem_size_0:
called_computation.1_lowered:
.L_overlay_start_0:
0x88: {  	s2 =	sld [smem:$0x3FD9]  }
0x89: {  	s3 =	sld [smem:$0x3FFE];
	_ =	sdelay $0x1  }
0x8a: {  	s1 =	srdreg.scid  }
0x8b: {  	s0 =	sand.u32 $0x1, s1  }
0x8c: {  	s17 =	sshll.u32 s0, $0xA;
	s2 =	sadd.s32 s3, s2  }
0x8d: {  	s2 =	sadd.s32 s2, s17  }
0x8e: {  	[smem:$0x3FBB] =	sst s2  }
0x8f: {  	_ = 	snop  }
0x90: {  	s2 =	sld [smem:$0x3FC5]  }
0x91: {  	s18 =	sld [smem:$0x3FC4];
	(tm) =	ssettm $0x1  }
0x92: {  	s4 =	sld [smem:$0x3FFB];
	_ =	sdelay $0x3  }
0x93: {  	_ =	strace s4  }
0x94: {  	s4 =	sld [smem:$0x3FFC];
	_ =	sdelay $0x3  }
0x95: {  	_ =	strace s4  }
0x96: {  	s4 =	sld [smem:$0x3FFD];
	_ =	sdelay $0x3  }
0x97: {  	_ =	strace s4  }
0x98: {  	_ =	strace $0x8FFFFFFF  }
0x99: {  	s19 =	sld [smem:$0x3FDB];
	_ =	sdelay $0x1  }
0x9a: {  	s5 =	simm.s32 $_scs_section_size  }
0x9b: {  	s6 =	simm.s32 $_size__tile_overlayer_lowered;
	s7 =	simm.s32 $_tile_overlayer_lowered  }
0x9c: {  	s22 =	simm.s32 $0x1BFF;
	s21 =	sshll.u32 s7, $0x1;
	s4 =	sadd.s32 s5, s19  }
0x9d: {  	s8 =	simm.s32 $0x0;
	s20 =	sshll.u32 s6, $0x1;
	s6 =	sadd.s32 s21, s4  }
0x9e: {  	[timem:s8], [sflag:s22] =	dma.local [hbm:s6], s20  }
0x9f: {  	_ =	swait.ge [sflag:s22], s20  }
0xa0: {  	s5 =	ssub.s32 $0x0, s20;
	[sflag:s22] =	ssyncset.done $0x0  }
0xa1: {  	[sflag:s22] =	ssyncadd.s32 s5;
	_ =	sdelay $0x1  }
0xa2: {  	s23 =	simm.s32 $0x1B8B  }
0xa3: {  	_ =	swait.ge [sflag:s23], $0x1  }
0xa4: {  	[sflag:s23] =	ssyncset.done $0x0  }
0xa5: {  	s25 =	simm.s32 $0x1B8E;
	s24 =	sld [smem:$0x3FFE];
	[sflag:s23] =	ssyncadd.s32 $0xFFFFFFFF  }
0xa6: {  	s26 =	simm.s32 $execute0_lowered;
	[smem:$0x3FD2] =	sst s25  }
0xa7: {  	s6 =	sshll.u32 s26, $0x1;
	_ =	strace $0x80000049;
	[dreg:$0x1] =	wrdreg $0xFFFFFFFF  }
0xa8: {  	s28 =	simm.s32 $_size_execute0_lowered;
	s4 =	sadd.s32 s4, s6;
	[dreg:$0x0] =	wrdreg $0x0  }
0xa9: {  	s6 =	sshll.u32 s28, $0x1;
	[dreg:$0x2] =	wrdreg s4  }
0xaa: {  	[dreg:$0x3] =	wrdreg s6  }
0xab: {  	[dreg:$0x4] =	wrdreg $0xC0  }
0xac: {  	_ =	task [dreg:s8], $0x5FFFF  }
0xad: {  	[dreg:$0x1] =	wrdreg $0xFFFFFFFF  }
0xae: {  	[dreg:$0x0] =	wrdreg $0x60  }
0xaf: {  	[dreg:$0x2] =	wrdreg s2  }
0xb0: {  	[dreg:$0x3] =	wrdreg s18  }
0xb1: {  	[dreg:$0x4] =	wrdreg s24  }
0xb2: {  	[dreg:$0x5] =	wrdreg $0x9  }
0xb3: {  	_ =	task.clear_ibuf [dreg:s8], $0x6FFFF;
	_ =	strace $0x90000049  }
0xb4: {  	s29 =	simm.s32 $0x9;
	_ =	strace $0x8000004B  }
0xb5: {  	_ =	swait.ge [sflag:s29], $0x1  }
0xb6: {  	[sflag:s29] =	ssyncadd.s32 $0xFFFFFFFF  }
0xb7: {  	_ =	strace $0x9000004B  }
0xb8: {  	_ =	sfence  }
0xb9: {  	s30 =	sld [smem:$0x0];
	_ =	sdelay $0x2  }
0xba: {  	s31 =	sshll.u32 s1, $0xD;
	s1 =	sshrl.u32 s1, $0x2  }
0xbb: {  	s3 =	sand.u32 $0x4000, s31;
	s1 =	sadd.s32 s1, s30  }
0xbc: {  	s0 =	sor.u32 s3, s0;
	s1 =	sshll.u32 s1, $0x11  }
0xbd: {  	s0 =	sor.u32 s1, s0  }
0xbe: {  	s0 =	sadd.s32 $0x8F2B, s0  }
0xbf: {  	[sflag:s0] =	ssyncadd.remote.s32 $0x1  }
0xc0: {  	_ =	sfence.sel $0xFFFF  }
0xc1: {  	[dreg:$0x0] =	wrdreg $0xFFFFFFFF;
	(pc) =	sbr.abs _section_cstart, $3  }
0xc2: {  	[dreg:$0x1] =	wrdreg $0xFFFFFFFF  }
0xc3: {  	_ =	task.clear_ibuf [dreg:s8], $0x2FFFF;
	_ =	strace $0x9FFFFFFF  }
0xc4: {  	(tm) =	ssettm $0x7FFFFFFF  }
0xc5: {  	_ =	shalt  }
tec
execute0_lowered:
.L_overlay_start_1:
0x0: {  	(tag) =	ssettag $0x1  }
0x1: {  	s6 =	rddreg [dreg:$0x0]  }
0x2: {  	s7 =	rddreg [dreg:$0x1]  }
0x3: {  	s4 =	rddreg [dreg:$0x2]  }
0x4: {  	s0 =	rddreg [dreg:$0x3];
	s2 =	simm.s32 $0x0  }
0x5: {  	s1 =	stileid.u32;
	s3 =	srdreg.scid;
	s15 =	simm.s32 $0x2  }
0x6: {  	s16 =	simm.s32 $0x0;
	[smem:$0x7FF] =	sst s2;
	s8 =	sshll.u32 s1, $0x9  }
0x7: {  	s9 =	sand.u32 $0x1, s3;
	s13 =	sshll.u32 s1, $0x10;
	_ =	strace $0x8000004A  }
0x8: {  	s10 =	sadd.s32 s8, s4;
	s5 =	ssub.s32 $0x2, s9;
	s3 =	sshll.u32 s9, $0x10  }
0x9: {  	s4 =	sadd.s32 $0x5400, s4;
	s12 =	sshll.u32 s9, $0x14;
	s6 =	sadd.s32 s6, s8  }
0xa: {  	s7 =	sadd.s32 s7, s8;
	s9 =	sshll.u32 s9, $0xB;
	s11 =	sshrl.u32 s5, $0x1  }
0xb: {  	s14 =	sor.u32 $0x1000000, s3;
	s3 =	sshll.u32 s1, $0xC;
	s8 =	sadd.s32 $0x3400, s10  }
0xc: {  	s30 =	sadd.s32 s12, s4;
	s31 =	sadd.s32 $0x800, s9;
	s12 =	simm.s32 $0x6000  }
0xd: {  	v5 =	vlaneseq.u32;
	s11 =	ssub.s32 s5, s11;
	s29 =	sor.u32 s3, s14;
	s10 =	sadd.s32 s13, s30  }
0xe: {  	v4 =	vimm.f32 $0.0e+00;
	v2 =	vmov s14;
	s13 =	simm.s32 $0x80;
	v3 =	vor.u32 s14, v5;
	s14 =	simm.s32 $0x1;
	s5 =	sshrl.u32 s29, $0x3  }
0xf: {  	v0 =	vmov s9;
	v1 =	vmov s31;
	v5 =	vor.u32 $0x8000, v5;
	s9 =	smax.u32 s11, $0x1;
	s11 =	simm.s32 $0x3;
	s5 =	sadd.s32 s4, s5  }
.LBB2_1:
0x10: {  	s17 =	simm.s32 $0x0  }
.LBB2_2:
0x11: {  	p0 =	sne.s32 s17, $0xFFC0  }
.Ltmp0:
0x12: {  	_ = 	snop;
	(pc) =	sbr.rel @p0 .LBB2_2-.Ltmp0, $3  }
0x13: {  	_ =	sdelay $0x1  }
0x14: {  	s18 =	sshra.s32 s17, $0x2  }
0x15: {  	s17 =	sadd.s32 $0x40, s17;
	[tilespmem:s18+$0x0] =	vst v4  }
0x16: {  	s17 =	sadd.s32 $0x0, s10  }
0x17: {  	[hbm4b:s17+s2] =	stream.linear.scatter [tilespmem:s2], [sflag:$0x3], $0x4000, $0x38;
	[tilespmem:$0x9000] =	vst v63  }
0x18: {  	_ =	swait.ge [sflag:s11], $0x4000  }
0x19: {  	s17 =	simm.s32 $0x800;
	[sflag:s11] =	ssyncset.done $0x0  }
.LBB2_4:
0x1a: {  	s18 =	sadd.s32 s17, s10;
	[sflag:s11] =	ssyncadd.s32 $0xFFFFC000;
	p0 =	sne.s32 s17, $0xF800  }
0x1b: {  	[hbm4b:s18+s2] =	stream.linear.scatter [tilespmem:s2], [sflag:$0x3], $0x4000, $0x38;
	[tilespmem:$0x9000] =	vst v63  }
.Ltmp1:
0x1c: {  	_ = 	snop;
	(pc) =	sbr.rel @p0 .LBB2_4-.Ltmp1, $4  }
0x1d: {  	_ = 	snop  }
0x1e: {  	s17 =	sadd.s32 $0x800, s17  }
0x1f: {  	_ =	swait.ge [sflag:s11], $0x4000  }
0x20: {  	[sflag:s11] =	ssyncset.done $0x0  }
0x21: {  	[sflag:s11] =	ssyncadd.s32 $0xFFFFC000;
	s17 =	simm.s32 $0x0  }
0x22: {  	[hbm4b:s5+s17] =	stream.linear.scatter [tilespmem:s17], [sflag:$0x3], $0x1000, $0x38;
	[tilespmem:$0x9000] =	vst v63  }
0x23: {  	_ =	swait.ge [sflag:s11], $0x1000  }
0x24: {  	[sflag:s11] =	ssyncset.done $0x0  }
0x25: {  	[sflag:s11] =	ssyncadd.s32 $0xFFFFF000  }
0x26: {  	s18 =	simm.s32 $0x4000;
	[bflag:$0x0] =	sbarrier.arrive $0xFFFF  }
0x27: {  	[tilespmem:s18], [sflag:$0x3] =	stream.linear.gather [hbm4b:s6+s17], $0x1000, $0x38;
	[tilespmem:$0x9000] =	vst v63  }
0x28: {  	_ =	swait.ge [sflag:s11], $0x1000  }
0x29: {  	[sflag:s11] =	ssyncset.done $0x0  }
0x2a: {  	s19 =	simm.s32 $0x5000;
	[sflag:s11] =	ssyncadd.s32 $0xFFFFF000  }
0x2b: {  	[tilespmem:s19], [sflag:$0x3] =	stream.linear.gather [hbm4b:s7+s17], $0x1000, $0x38;
	[tilespmem:$0x9000] =	vst v63  }
0x2c: {  	_ =	swait.ge [sflag:s11], $0x1000  }
0x2d: {  	[sflag:s11] =	ssyncset.done $0x0  }
0x2e: {  	[sflag:s11] =	ssyncadd.s32 $0xFFFFF000  }
0x2f: {  	[tilespmem:s12], [sflag:$0x3] =	stream.linear.gather [hbm4b:s8+s17], $0x1000, $0x38;
	[tilespmem:$0x9000] =	vst v63  }
0x30: {  	_ =	swait.ge [sflag:s11], $0x1000  }
0x31: {  	s20 =	simm.s32 $0x8000;
	[sflag:s11] =	ssyncset.done $0x0  }
0x32: {  	s21 =	simm.s32 $0x7000;
	s22 =	smov.u32 s3;
	[sflag:s11] =	ssyncadd.s32 $0xFFFFF000  }
.LBB2_6:
0x33: {  	v8 =	vmov s18  }
0x34: {  	v9 =	vmov s19;
	_ =	sdelay $0x2  }
0x35: {  	s24 =	simm.s32 $0x0  }
0x36: {  	v10 =	vld.idx.msk [tilespmem:v8+s24+$0x0 ss:$0x1], $0xffff  }
0x37: {  	v11 =	vld.idx.msk [tilespmem:v9+s24+$0x0 ss:$0x1], $0xffff;
	_ =	sdelay $0x1  }
0x38: {  	v7 =	vmov s21;
	v12 =	vadd.s32 s22, v5  }
0x39: {  	v6 =	vmov s20;
	v13 =	vor.u32 s22, v3;
	v12 =	vand.u32 $0xFFFF, v12  }
0x3a: {  	v12 =	vor.u32 v2, v12;
	vm0 =	vge.s32 v10, v0;
	vm1 =	vlt.s32 v10, v1  }
0x3b: {  	vm2 =	vge.s32 v11, v0;
	vm3 =	vlt.s32 v11, v1;
	v15 =	vshll.u32 v11, $0xC  }
0x3c: {  	v14 =	vshll.u32 v10, $0xC;
	vm2 =	vmand vm2, vm3;
	v10 =	vadd.s32 v10, v15  }
0x3d: {  	v11 =	vadd.s32 v11, v14;
	vm0 =	vmand vm0, vm1;
	v10 =	vsel vm2, v10, v13  }
0x3e: {  	[tilespmem:v7+s24+$0x0 ss:$0x1] =	vst.idx.msk $0xffff, v10;
	v10 =	vsel vm0, v11, v12  }
0x3f: {  	s23 =	simm.s32 $0x10;
	[tilespmem:v6+s24+$0x0 ss:$0x1] =	vst.idx.msk $0xffff, v10  }
0x40: {  	v10 =	vld.idx.msk [tilespmem:v8+s23+$0x0 ss:$0x1], $0xffff  }
0x41: {  	s25 =	simm.s32 $0x80;
	s24 =	smov.u32 s22;
	v11 =	vld.idx.msk [tilespmem:v9+s23+$0x0 ss:$0x1], $0xffff  }
.LBB2_7:
0x42: {  	p0 =	sne.s32 s25, $0x1C0  }
0x43: {  	s24 =	sadd.s32 $0x10, s24  }
0x44: {  	v12 =	vadd.s32 s24, v5  }
0x45: {  	v13 =	vor.u32 s24, v3;
	v12 =	vand.u32 $0xFFFF, v12  }
0x46: {  	vm0 =	vge.s32 v10, v0;
	vm1 =	vlt.s32 v10, v1;
	v14 =	vshll.u32 v10, $0xC  }
0x47: {  	vm2 =	vge.s32 v11, v0;
	vm3 =	vlt.s32 v11, v1;
	v15 =	vshll.u32 v11, $0xC  }
0x48: {  	v11 =	vadd.s32 v11, v14;
	vm2 =	vmand vm2, vm3;
	v10 =	vadd.s32 v10, v15  }
.Ltmp2:
0x49: {  	v12 =	vor.u32 v2, v12;
	vm0 =	vmand vm0, vm1;
	v10 =	vsel vm2, v10, v13;
	(pc) =	sbr.rel @p0 .LBB2_7-.Ltmp2, $4  }
0x4a: {  	[tilespmem:v7+s23+$0x0 ss:$0x1] =	vst.idx.msk $0xffff, v10;
	v10 =	vsel vm0, v11, v12  }
0x4b: {  	[tilespmem:v6+s23+$0x0 ss:$0x1] =	vst.idx.msk $0xffff, v10;
	s23 =	sshra.s32 s25, $0x2  }
0x4c: {  	v10 =	vld.idx.msk [tilespmem:v8+s23+$0x0 ss:$0x1], $0xffff  }
0x4d: {  	s25 =	sadd.s32 $0x40, s25;
	v11 =	vld.idx.msk [tilespmem:v9+s23+$0x0 ss:$0x1], $0xffff  }
0x4e: {  	s24 =	sadd.s32 $0x10, s24  }
0x4f: {  	v8 =	vadd.s32 s24, v5  }
0x50: {  	s17 =	sadd.s32 $0x1, s17;
	v9 =	vor.u32 s24, v3;
	v8 =	vand.u32 $0xFFFF, v8  }
0x51: {  	p0 =	sne.s32 s17, $0x20;
	vm0 =	vge.s32 v10, v0;
	vm1 =	vlt.s32 v10, v1;
	v12 =	vshll.u32 v10, $0xC  }
.Ltmp3:
0x52: {  	vm2 =	vge.s32 v11, v0;
	vm3 =	vlt.s32 v11, v1;
	v13 =	vshll.u32 v11, $0xC;
	(pc) =	sbr.rel @p0 .LBB2_6-.Ltmp3, $4  }
0x53: {  	v8 =	vor.u32 v2, v8;
	vm2 =	vmand vm2, vm3;
	v62 =	vadd.s32 v10, v13  }
0x54: {  	v63 =	vadd.s32 v11, v12;
	vm0 =	vmand vm0, vm1;
	v9 =	vsel vm2, v62, v9  }
0x55: {  	s22 =	sadd.s32 $0x80, s22;
	s20 =	sadd.s32 $0x80, s20;
	[tilespmem:v7+s23+$0x0 ss:$0x1] =	vst.idx.msk $0xffff, v9;
	v7 =	vsel vm0, v63, v8  }
0x56: {  	s21 =	sadd.s32 $0x80, s21;
	s18 =	sadd.s32 $0x80, s18;
	s19 =	sadd.s32 $0x80, s19;
	[tilespmem:v6+s23+$0x0 ss:$0x1] =	vst.idx.msk $0xffff, v7  }
0x57: {  	s17 =	simm.s32 $0x6000;
	s18 =	simm.s32 $0x7000  }
0x58: {  	[hbm4b:s4+s13] =	stream.indirect.scatter [tilespmem:s17], [sflag:$0x1], $0x1, s18, s13, $0xb8;
	[tilespmem:$0x9000] =	vst v63  }
0x59: {  	s31 =	simm.s32 $0x8000  }
0x5a: {  	[hbm4b:s4+s13] =	stream.indirect.scatter [tilespmem:s17], [sflag:$0x2], $0x1, s31, s13, $0xb8;
	[tilespmem:$0x9000] =	vst v63  }
0x5b: {  	_ =	swait.ge [sflag:s14], $0x80  }
0x5c: {  	[sflag:s14] =	ssyncset.done $0x0  }
0x5d: {  	[sflag:s14] =	ssyncadd.s32 $0xFFFFFF80  }
0x5e: {  	_ =	swait.ge [sflag:s15], $0x80  }
0x5f: {  	s18 =	simm.s32 $0x80;
	s17 =	simm.s32 $0x400;
	[sflag:s15] =	ssyncset.done $0x0  }
.LBB2_10:
0x60: {  	s19 =	sadd.s32 $0x6000, s18  }
0x61: {  	s20 =	sadd.s32 $0x7000, s18;
	[sflag:s15] =	ssyncadd.s32 $0xFFFFFF80;
	s21 =	smov.u32 s17  }
0x62: {  	[hbm4b:s4+s13] =	stream.indirect.scatter [tilespmem:s19], [sflag:$0x1], $0x1, s20, s13, $0xb8;
	[tilespmem:$0x9000] =	vst v63  }
0x63: {  	p0 =	sne.s32 s17, $0x3E00;
	s17 =	sadd.s32 $0x200, s17;
	s18 =	sadd.s32 $0x8000, s18  }
0x64: {  	[hbm4b:s4+s13] =	stream.indirect.scatter [tilespmem:s19], [sflag:$0x2], $0x1, s18, s13, $0xb8;
	[tilespmem:$0x9000] =	vst v63  }
.Ltmp4:
0x65: {  	_ =	swait.ge [sflag:s14], $0x80;
	(pc) =	sbr.rel @p0 .LBB2_10-.Ltmp4, $4  }
0x66: {  	[sflag:s14] =	ssyncset.done $0x0  }
0x67: {  	[sflag:s14] =	ssyncadd.s32 $0xFFFFFF80  }
0x68: {  	_ =	swait.ge [sflag:s15], $0x80  }
0x69: {  	s18 =	sshra.s32 s21, $0x2;
	[sflag:s15] =	ssyncset.done $0x0  }
0x6a: {  	s17 =	sadd.s32 $0x6000, s18;
	s19 =	sadd.s32 $0x7000, s18;
	[sflag:s15] =	ssyncadd.s32 $0xFFFFFF80  }
0x6b: {  	[hbm4b:s4+s13] =	stream.indirect.scatter [tilespmem:s17], [sflag:$0x1], $0x1, s19, s13, $0xb8;
	[tilespmem:$0x9000] =	vst v63  }
0x6c: {  	s31 =	sadd.s32 $0x8000, s18;
	s16 =	sadd.s32 $0x1, s16  }
0x6d: {  	[hbm4b:s4+s13] =	stream.indirect.scatter [tilespmem:s17], [sflag:$0x2], $0x1, s31, s13, $0xb8;
	[tilespmem:$0x9000] =	vst v63  }
0x6e: {  	p0 =	sne.s32 s16, s9;
	_ =	swait.ge [sflag:s14], $0x80  }
.Ltmp5:
0x6f: {  	[sflag:s14] =	ssyncset.done $0x0;
	(pc) =	sbr.rel @p0 .LBB2_1-.Ltmp5, $4  }
0x70: {  	[sflag:s14] =	ssyncadd.s32 $0xFFFFFF80  }
0x71: {  	_ =	swait.ge [sflag:s15], $0x80  }
0x72: {  	[sflag:s15] =	ssyncset.done $0x0  }
0x73: {  	[sflag:s15] =	ssyncadd.s32 $0xFFFFFF80  }
0x74: {  	_ =	sfence.sel $0x180000  }
0x75: {  	[bflag:$0x0] =	sbarrier.arrive $0xFFFF  }
0x76: {  	p0 =	sne.s32 s1, $0x0;
	_ =	strace $0x9000004A  }
0x77: {  	s0 =	sadd.s32 @!p0 $0x100000, s0;
	[bflag:$0x2] =	sbarrier.arrive $0xFFFF  }
0x78: {  	[sflag:s0] =	ssyncadd.tile.s32 @!p0 $0x1;
	_ =	shalt  }
.Lfunc_end2:
_tile_overlayer_lowered:
.L_overlay_start_2:
0x79: {  	(tag) =	ssettag $0x2  }
0x7a: {  	s0 =	rddreg [dreg:$0x0];
	s2 =	stileid.u32  }
0x7b: {  	s1 =	rddreg [dreg:$0x1];
	p0 =	sne.s32 s2, $0x0  }
0x7c: {  	s3 =	rddreg [dreg:$0x2];
	[bflag:$0x3] =	sbarrier.arrive $0xFFFF;
	s2 =	simm.s32 @!p0 $0x1C03  }
0x7d: {  	[timem:s3], [sflag:s2] =	dma.local @!p0 [hbm:s0], s1  }
0x7e: {  	s0 =	simm.s32 @!p0 $0x3  }
0x7f: {  	_ =	swait.ge @!p0 [sflag:s0], s1  }
0x80: {  	s1 =	ssub.s32 @!p0 $0x0, s1;
	[sflag:s0] =	ssyncset.done @!p0 $0x0  }
0x81: {  	[sflag:s0] =	ssyncadd.s32 @!p0 s1  }
0x82: {  	[bflag:$0x3] =	sbarrier.arrive $0xFFFF  }
0x83: {  	_ =	shalt  }

// kernel: kernel.7.cloned.1.call-start
scs
__scs_entry_jumppad:
0x0: {  	(pc) =	sbr.rel $0x88, $3  }
0x1: {  	(tag) =	ssettag $0x0;
	lr =	simm.s32 $0x1  }
0x2: {  	[smem:$0x3F94] =	sst lr;
	_ =	strace $0xD0000000  }
0x3: {  	_ = 	snop  }
0x4: {  	_ = 	snop  }
0x5: {  	_ = 	snop  }
0x6: {  	_ = 	snop  }
0x7: {  	_ = 	snop  }
__scs_overlays_trampoline_lowered:
0x8: {  	[smem:$0x3FA3] =	sst s0  }
0x9: {  	[smem:$0x3FA4] =	sst s1  }
0xa: {  	[smem:$0x3FA5] =	sst s2  }
0xb: {  	[smem:$0x3FA6] =	sst s3  }
0xc: {  	[smem:$0x3FA7] =	sst s4  }
0xd: {  	[smem:$0x3FA8] =	sst s5  }
0xe: {  	[smem:$0x3FA9] =	sst s6  }
0xf: {  	[smem:$0x3FAA] =	sst s7  }
0x10: {  	[smem:$0x3FAB] =	sst s8  }
0x11: {  	[smem:$0x3FAC] =	sst s9;
	s0 =	simm.s32 @!p0 $0x0  }
0x12: {  	s1 =	sld [smem:$0x3F92];
	s0 =	simm.s32 @p0 $0x1  }
0x13: {  	[smem:$0x3FAD] =	sst s0;
	s0 =	simm.s32 @!p1 $0x0  }
0x14: {  	s2 =	sld [smem:$0x3F91];
	s0 =	simm.s32 @p1 $0x1  }
0x15: {  	[smem:$0x3FAE] =	sst s0;
	s0 =	simm.s32 @!p2 $0x0  }
0x16: {  	s3 =	sld [smem:$0x3FDB];
	s0 =	simm.s32 @p2 $0x1  }
0x17: {  	s4 =	simm.s32 $0x1BF5;
	[smem:$0x3FB0] =	sst s0  }
0x18: {  	s0 =	sld [smem:$0x3F93];
	_ =	swait.ge [sflag:s4], $0x0  }
0x19: {  	s7 =	sld [smem:$0x3F94]  }
0x1a: {  	s8 =	sadd.s32 $0xFFFFE003, lr  }
0x1b: {  	s9 =	sadd.s32 $0xFFFFFEF7, lr;
	s5 =	simm.s32 $0xFFFFFFFF;
	p2 =	slt.u32 s8, $0xFFFFF086  }
0x1c: {  	p1 =	slt.u32 s9, $0xF7A;
	s5 =	simm.s32 @!p2 $0x0  }
0x1d: {  	s5 =	simm.s32 @p1 $0x1;
	p0 =	seq.s32 s7, s2  }
0x1e: {  	s7 =	smul.u32 @!p0 $0xF7A, s2;
	p2 =	seq.s32 @!p0 s5, $0x0  }
0x1f: {  	s9 =	smul.u32 $0xF7A, s1;
	s8 =	simm.s32 @!p0 $0x1BF5;
	p2 =	por !p2, p0  }
0x20: {  	[sflag:s8] =	ssyncset.s32 @!p0 $0xFFFFF086;
	s6 =	sadd.s32 @!p0 s3, s7;
	s7 =	simm.s32 @!p0 $0x108  }
0x21: {  	s3 =	sadd.s32 s3, s9;
	s6 =	sadd.s32 @!p0 $0x88, s6;
	s7 =	simm.s32 @p2 $0x1082  }
0x22: {  	[simem:s7], [sflag:s8] =	dma.local @!p0 [hbm:s6], $0xF7A  }
0x23: {  	s9 =	sor.u32 $0xD0000000, s2;
	s6 =	simm.s32 $0x108;
	_ =	swait.ge @!p0 [sflag:s8], $0x0  }
0x24: {  	s3 =	sadd.s32 $0x88, s3;
	s6 =	simm.s32 @!p1 $0x1082;
	[sflag:s4] =	ssyncset.s32 $0xFFFFF086  }
0x25: {  	[simem:s6], [sflag:s4] =	dma.local [hbm:s3], $0xF7A  }
0x26: {  	[smem:$0x3F94] =	sst s1;
	(tag) =	ssettag s2;
	_ =	strace s9  }
0x27: {  	s1 =	sld [smem:$0x3FA4]  }
0x28: {  	s2 =	sld [smem:$0x3FA5]  }
0x29: {  	s4 =	sld [smem:$0x3FA7]  }
0x2a: {  	p0 =	seq.s32 s5, $0x0;
	s5 =	sld [smem:$0x3FA8]  }
0x2b: {  	s6 =	sld [smem:$0x3FA9]  }
0x2c: {  	s7 =	sld [smem:$0x3FAA]  }
0x2d: {  	s3 =	simm.s32 $0x108;
	s8 =	sld [smem:$0x3FAB]  }
0x2e: {  	s3 =	simm.s32 @!p0 $0x1082;
	s9 =	sld [smem:$0x3FAC]  }
0x2f: {  	lr =	sadd.s32 s0, s3;
	s0 =	sld [smem:$0x3FA3]  }
0x30: {  	s3 =	sld [smem:$0x3FA6]  }
0x31: {  	[smem:$0x3FAF] =	sst s10  }
0x32: {  	s10 =	sld [smem:$0x3FAD];
	_ =	sdelay $0x3  }
0x33: {  	p0 =	seq.s32 s10, $0x1;
	s10 =	sld [smem:$0x3FAF];
	_ =	sdelay $0x3  }
0x34: {  	[smem:$0x3FAF] =	sst s10  }
0x35: {  	s10 =	sld [smem:$0x3FAE];
	_ =	sdelay $0x3  }
0x36: {  	p1 =	seq.s32 s10, $0x1;
	s10 =	sld [smem:$0x3FAF];
	_ =	sdelay $0x3  }
0x37: {  	[smem:$0x3FAF] =	sst s10  }
0x38: {  	s10 =	sld [smem:$0x3FB0]  }
0x39: {  	_ = 	snop;
	(pc) =	sbr.ind lr, $3  }
0x3a: {  	_ = 	snop  }
0x3b: {  	_ = 	snop  }
0x3c: {  	p2 =	seq.s32 s10, $0x1;
	s10 =	sld [smem:$0x3FAF]  }
0x3d: {  	_ =	shalt  }
0x3e: {  	_ =	shalt  }
0x3f: {  	_ =	shalt  }
0x40: {  	_ =	shalt  }
0x41: {  	_ =	shalt  }
0x42: {  	_ =	shalt  }
0x43: {  	_ =	shalt  }
0x44: {  	_ =	shalt  }
0x45: {  	_ =	shalt  }
0x46: {  	_ =	shalt  }
0x47: {  	_ =	shalt  }
0x48: {  	_ =	shalt  }
0x49: {  	_ =	shalt  }
0x4a: {  	_ =	shalt  }
0x4b: {  	_ =	shalt  }
0x4c: {  	_ =	shalt  }
0x4d: {  	_ =	shalt  }
0x4e: {  	_ =	shalt  }
0x4f: {  	_ =	shalt  }
0x50: {  	_ =	shalt  }
0x51: {  	_ =	shalt  }
0x52: {  	_ =	shalt  }
0x53: {  	_ =	shalt  }
0x54: {  	_ =	shalt  }
0x55: {  	_ =	shalt  }
0x56: {  	_ =	shalt  }
0x57: {  	_ =	shalt  }
0x58: {  	_ =	shalt  }
0x59: {  	_ =	shalt  }
0x5a: {  	_ =	shalt  }
0x5b: {  	_ =	shalt  }
0x5c: {  	_ =	shalt  }
0x5d: {  	_ =	shalt  }
0x5e: {  	_ =	shalt  }
0x5f: {  	_ =	shalt  }
0x60: {  	_ =	shalt  }
0x61: {  	_ =	shalt  }
0x62: {  	_ =	shalt  }
0x63: {  	_ =	shalt  }
0x64: {  	_ =	shalt  }
0x65: {  	_ =	shalt  }
0x66: {  	_ =	shalt  }
0x67: {  	_ =	shalt  }
0x68: {  	_ =	shalt  }
0x69: {  	_ =	shalt  }
0x6a: {  	_ =	shalt  }
0x6b: {  	_ =	shalt  }
0x6c: {  	_ =	shalt  }
0x6d: {  	_ =	shalt  }
0x6e: {  	_ =	shalt  }
0x6f: {  	_ =	shalt  }
0x70: {  	_ =	shalt  }
0x71: {  	_ =	shalt  }
0x72: {  	_ =	shalt  }
0x73: {  	_ =	shalt  }
0x74: {  	_ =	shalt  }
0x75: {  	_ =	shalt  }
0x76: {  	_ =	shalt  }
0x77: {  	_ =	shalt  }
0x78: {  	_ =	shalt  }
0x79: {  	_ =	shalt  }
0x7a: {  	_ =	shalt  }
0x7b: {  	_ =	shalt  }
0x7c: {  	_ =	shalt  }
0x7d: {  	_ =	shalt  }
0x7e: {  	_ =	shalt  }
0x7f: {  	_ =	shalt  }
0x80: {  	_ =	shalt  }
0x81: {  	_ =	shalt  }
0x82: {  	_ =	shalt  }
0x83: {  	_ =	shalt  }
0x84: {  	_ =	shalt  }
0x85: {  	_ =	shalt  }
0x86: {  	_ =	shalt  }
0x87: {  	_ =	shalt  }
.Lfunc_end0:
.L_simem_size_0:
called_computation_lowered:
.L_overlay_start_0:
0x88: {  	s2 =	sld [smem:$0x3FD9]  }
0x89: {  	s3 =	sld [smem:$0x3FFE];
	_ =	sdelay $0x1  }
0x8a: {  	s1 =	srdreg.scid  }
0x8b: {  	s0 =	sand.u32 $0x1, s1  }
0x8c: {  	s17 =	sshll.u32 s0, $0xA;
	s2 =	sadd.s32 s3, s2  }
0x8d: {  	s2 =	sadd.s32 s2, s17  }
0x8e: {  	[smem:$0x3FBB] =	sst s2  }
0x8f: {  	_ = 	snop  }
0x90: {  	s2 =	sld [smem:$0x3FC5]  }
0x91: {  	s18 =	sld [smem:$0x3FC4];
	(tm) =	ssettm $0x1  }
0x92: {  	s4 =	sld [smem:$0x3FFB];
	_ =	sdelay $0x3  }
0x93: {  	_ =	strace s4  }
0x94: {  	s4 =	sld [smem:$0x3FFC];
	_ =	sdelay $0x3  }
0x95: {  	_ =	strace s4  }
0x96: {  	s4 =	sld [smem:$0x3FFD];
	_ =	sdelay $0x3  }
0x97: {  	_ =	strace s4  }
0x98: {  	_ =	strace $0x8FFFFFFF  }
0x99: {  	s19 =	sld [smem:$0x3FDB];
	_ =	sdelay $0x1  }
0x9a: {  	s5 =	simm.s32 $_scs_section_size  }
0x9b: {  	s6 =	simm.s32 $_size__tile_overlayer_lowered;
	s7 =	simm.s32 $_tile_overlayer_lowered  }
0x9c: {  	s22 =	simm.s32 $0x1BFF;
	s21 =	sshll.u32 s7, $0x1;
	s4 =	sadd.s32 s5, s19  }
0x9d: {  	s8 =	simm.s32 $0x0;
	s20 =	sshll.u32 s6, $0x1;
	s6 =	sadd.s32 s21, s4  }
0x9e: {  	[timem:s8], [sflag:s22] =	dma.local [hbm:s6], s20  }
0x9f: {  	_ =	swait.ge [sflag:s22], s20  }
0xa0: {  	s5 =	ssub.s32 $0x0, s20;
	[sflag:s22] =	ssyncset.done $0x0  }
0xa1: {  	[sflag:s22] =	ssyncadd.s32 s5;
	_ =	sdelay $0x1  }
0xa2: {  	s23 =	simm.s32 $0x1B8B  }
0xa3: {  	_ =	swait.ge [sflag:s23], $0x1  }
0xa4: {  	[sflag:s23] =	ssyncset.done $0x0  }
0xa5: {  	s25 =	simm.s32 $0x1B8E;
	s24 =	sld [smem:$0x3FFE];
	[sflag:s23] =	ssyncadd.s32 $0xFFFFFFFF  }
0xa6: {  	s26 =	simm.s32 $execute0_lowered;
	[smem:$0x3FD2] =	sst s25  }
0xa7: {  	s6 =	sshll.u32 s26, $0x1;
	_ =	strace $0x80000046;
	[dreg:$0x1] =	wrdreg $0xFFFFFFFF  }
0xa8: {  	s28 =	simm.s32 $_size_execute0_lowered;
	s4 =	sadd.s32 s4, s6;
	[dreg:$0x0] =	wrdreg $0x0  }
0xa9: {  	s6 =	sshll.u32 s28, $0x1;
	[dreg:$0x2] =	wrdreg s4  }
0xaa: {  	[dreg:$0x3] =	wrdreg s6  }
0xab: {  	[dreg:$0x4] =	wrdreg $0xC0  }
0xac: {  	_ =	task [dreg:s8], $0x5FFFF  }
0xad: {  	[dreg:$0x1] =	wrdreg $0xFFFFFFFF  }
0xae: {  	[dreg:$0x0] =	wrdreg $0x60  }
0xaf: {  	[dreg:$0x2] =	wrdreg s24  }
0xb0: {  	[dreg:$0x3] =	wrdreg s2  }
0xb1: {  	[dreg:$0x4] =	wrdreg s18  }
0xb2: {  	[dreg:$0x5] =	wrdreg $0x9  }
0xb3: {  	_ =	task.clear_ibuf [dreg:s8], $0x6FFFF;
	_ =	strace $0x90000046  }
0xb4: {  	s29 =	simm.s32 $0x9;
	_ =	strace $0x80000048  }
0xb5: {  	_ =	swait.ge [sflag:s29], $0x1  }
0xb6: {  	[sflag:s29] =	ssyncadd.s32 $0xFFFFFFFF  }
0xb7: {  	_ =	strace $0x90000048  }
0xb8: {  	_ =	sfence  }
0xb9: {  	s30 =	sld [smem:$0x0];
	_ =	sdelay $0x2  }
0xba: {  	s31 =	sshll.u32 s1, $0xD;
	s1 =	sshrl.u32 s1, $0x2  }
0xbb: {  	s3 =	sand.u32 $0x4000, s31;
	s1 =	sadd.s32 s1, s30  }
0xbc: {  	s0 =	sor.u32 s3, s0;
	s1 =	sshll.u32 s1, $0x11  }
0xbd: {  	s0 =	sor.u32 s1, s0  }
0xbe: {  	s0 =	sadd.s32 $0x8F2B, s0  }
0xbf: {  	[sflag:s0] =	ssyncadd.remote.s32 $0x1  }
0xc0: {  	_ =	sfence.sel $0xFFFF  }
0xc1: {  	[dreg:$0x0] =	wrdreg $0xFFFFFFFF;
	(pc) =	sbr.abs _section_cstart, $3  }
0xc2: {  	[dreg:$0x1] =	wrdreg $0xFFFFFFFF  }
0xc3: {  	_ =	task.clear_ibuf [dreg:s8], $0x2FFFF;
	_ =	strace $0x9FFFFFFF  }
0xc4: {  	(tm) =	ssettm $0x7FFFFFFF  }
0xc5: {  	_ =	shalt  }
tec
execute0_lowered:
.L_overlay_start_1:
0x0: {  	(tag) =	ssettag $0x1  }
0x1: {  	s0 =	rddreg [dreg:$0x0]  }
0x2: {  	s2 =	rddreg [dreg:$0x1]  }
0x3: {  	s5 =	rddreg [dreg:$0x2];
	s1 =	simm.s32 $0x0;
	s6 =	srdreg.scid  }
0x4: {  	s10 =	stileid.u32;
	s12 =	simm.s32 $0x5;
	s14 =	simm.s32 $0x1000  }
0x5: {  	s31 =	simm.s32 $0x9000;
	s15 =	simm.s32 $0xC800;
	s16 =	simm.s32 $0xD000  }
0x6: {  	s17 =	simm.s32 $0xD800;
	s18 =	simm.s32 $0xE000;
	s19 =	simm.s32 $0xE800  }
0x7: {  	s20 =	simm.s32 $0xF000;
	s28 =	simm.s32 $0x3;
	s29 =	simm.s32 $0x4  }
0x8: {  	[smem:$0x7FF] =	sst s1;
	s3 =	sadd.s32 $0x3400, s0;
	s4 =	sadd.s32 $0x43400, s0  }
0x9: {  	s6 =	sand.u32 $0x1, s6;
	s8 =	sshll.u32 s10, $0xC;
	s10 =	sshll.u32 s10, $0x12  }
0xa: {  	_ =	strace $0x80000047;
	s7 =	ssub.s32 $0x2, s6;
	s9 =	sshll.u32 s6, $0xB  }
0xb: {  	s21 =	sadd.s32 s10, s0;
	s25 =	sshll.u32 s6, $0x11;
	s6 =	simm.s32 $0x9800  }
0xc: {  	s11 =	sshrl.u32 s7, $0x1;
	s8 =	sor.u32 s9, s8;
	s26 =	sadd.s32 s25, s21  }
0xd: {  	s9 =	simm.s32 $0xC000;
	s21 =	simm.s32 $0xF800;
	s25 =	simm.s32 $0x1  }
0xe: {  	s22 =	ssub.s32 s7, s11;
	s23 =	sshrl.u32 s8, $0x3;
	s7 =	sadd.s32 $0x3500, s0  }
.Ltmp0:
0xf: {  	s8 =	sadd.s32 $0x43500, s0;
	s10 =	sadd.s32 $0x483400, s26;
	(pc) =	sbr.rel .LBB2_1-.Ltmp0, $4  }
0x10: {  	s11 =	sadd.s32 $0x83400, s26;
	s26 =	simm.s32 $0x2;
	s2 =	sadd.s32 s2, s23  }
0x11: {  	v2 =	vlaneseq.u32;
	s24 =	sadd.s32 s5, s23;
	s30 =	smax.u32 s22, $0x1;
	[dreg:$0x4] =	wrdreg s2  }
0x12: {  	vm0 =	vmmov $0xffff;
	v1 =	vshrl.u32 v2, $0x3;
	s22 =	simm.s32 $0x5000;
	s23 =	simm.s32 $0x10000;
	[dreg:$0x5] =	wrdreg s24  }
0x13: {  	v0 =	vand.u32 $0x7, v2;
	v2 =	vor.u32 $0x8, v2;
	v1 =	vmul.u32 $0x8, v1;
	[dreg:$0x6] =	wrdreg s30;
	s24 =	simm.s32 $0x10800;
	s2 =	simm.s32 $0x0  }
.LBB2_5:
0x14: {  	s2 =	rddreg [dreg:$0x7]  }
0x15: {  	s0 =	rddreg [dreg:$0x6];
	s2 =	sadd.s32 $0x1, s2  }
0x16: {  	p0 =	sne.s32 s2, s0  }
.Ltmp1:
0x17: {  	_ = 	snop;
	(pc) =	sbr.rel @!p0 .LBB2_6-.Ltmp1, $1  }
0x18: {  	_ =	sdelay $0x3  }
.LBB2_1:
0x19: {  	[dreg:$0x7] =	wrdreg s2  }
0x1a: {  	s0 =	rddreg [dreg:$0x4]  }
0x1b: {  	[tilespmem:s1], [sflag:$0x5] =	stream.linear.gather [hbm4b:s0+s1], $0x800, $0x38;
	[tilespmem:$0x11000] =	vst v63  }
0x1c: {  	_ =	swait.ge [sflag:s12], $0x800  }
0x1d: {  	[sflag:s12] =	ssyncset.done $0x0  }
0x1e: {  	s13 =	simm.s32 $0x800;
	s5 =	rddreg [dreg:$0x5];
	[sflag:s12] =	ssyncadd.s32 $0xFFFFF800  }
0x1f: {  	[tilespmem:s13], [sflag:$0x5] =	stream.linear.gather [hbm4b:s5+s1], $0x800, $0x38;
	[tilespmem:$0x11000] =	vst v63  }
0x20: {  	_ =	swait.ge [sflag:s12], $0x800  }
0x21: {  	[sflag:s12] =	ssyncset.done $0x0  }
0x22: {  	[sflag:s12] =	ssyncadd.s32 $0xFFFFF800  }
0x23: {  	v3 =	vld [tilespmem:$0x0];
	_ =	sdelay $0x4  }
0x24: {  	v4 =	vshll.u32 v3, $0x2  }
0x25: {  	v3 =	vand.u32 $0x7, v3;
	v4 =	vand.u32 $0xFFFFFFE0, v4  }
0x26: {  	v3 =	vor.u32 v3, v4  }
0x27: {  	v4 =	vperm.xlane v3, v0;
	_ =	sdelay $0x1  }
0x28: {  	v4 =	vadd.s32 v1, v4;
	_ =	sdelay $0x1  }
0x29: {  	v3 =	vperm.xlane v3, v2;
	_ =	sdelay $0x1  }
0x2a: {  	v3 =	vadd.s32 v1, v3  }
0x2b: {  	[tilespmem:s14], [sflag:$0x1] =	stream.indirect_vreg.gather [hbm4b:s3+s1], $0x80, v4, vm0, $0xb8;
	[tilespmem:$0x11000] =	vst v63  }
0x2c: {  	s5 =	simm.s32 $0x1800  }
0x2d: {  	[tilespmem:s5], [sflag:$0x1] =	stream.indirect_vreg.gather [hbm4b:s7+s1], $0x80, v4, vm0, $0xb8;
	[tilespmem:$0x11000] =	vst v63  }
0x2e: {  	s13 =	simm.s32 $0x2000  }
0x2f: {  	[tilespmem:s13], [sflag:$0x1] =	stream.indirect_vreg.gather [hbm4b:s3+s1], $0x80, v3, vm0, $0xb8;
	[tilespmem:$0x11000] =	vst v63  }
0x30: {  	s2 =	simm.s32 $0x2800  }
0x31: {  	[tilespmem:s2], [sflag:$0x1] =	stream.indirect_vreg.gather [hbm4b:s7+s1], $0x80, v3, vm0, $0xb8;
	[tilespmem:$0x11000] =	vst v63  }
0x32: {  	v3 =	vld [tilespmem:$0x10];
	_ =	sdelay $0x4  }
0x33: {  	v61 =	vshll.u32 v3, $0x2  }
0x34: {  	v3 =	vand.u32 $0x7, v3;
	v4 =	vand.u32 $0xFFFFFFE0, v61  }
0x35: {  	v3 =	vor.u32 v3, v4  }
0x36: {  	v4 =	vperm.xlane v3, v0;
	_ =	sdelay $0x1  }
0x37: {  	v4 =	vadd.s32 v1, v4;
	_ =	sdelay $0x1  }
0x38: {  	v3 =	vperm.xlane v3, v2;
	_ =	sdelay $0x1  }
0x39: {  	s5 =	simm.s32 $0x3000;
	v3 =	vadd.s32 v1, v3  }
0x3a: {  	[tilespmem:s5], [sflag:$0x1] =	stream.indirect_vreg.gather [hbm4b:s3+s1], $0x80, v4, vm0, $0xb8;
	[tilespmem:$0x11000] =	vst v63  }
0x3b: {  	s13 =	simm.s32 $0x3800  }
0x3c: {  	[tilespmem:s13], [sflag:$0x1] =	stream.indirect_vreg.gather [hbm4b:s7+s1], $0x80, v4, vm0, $0xb8;
	[tilespmem:$0x11000] =	vst v63  }
0x3d: {  	s2 =	simm.s32 $0x4000  }
0x3e: {  	[tilespmem:s2], [sflag:$0x1] =	stream.indirect_vreg.gather [hbm4b:s3+s1], $0x80, v3, vm0, $0xb8;
	[tilespmem:$0x11000] =	vst v63  }
0x3f: {  	s5 =	simm.s32 $0x4800  }
0x40: {  	[tilespmem:s5], [sflag:$0x1] =	stream.indirect_vreg.gather [hbm4b:s7+s1], $0x80, v3, vm0, $0xb8;
	[tilespmem:$0x11000] =	vst v63  }
0x41: {  	v3 =	vld [tilespmem:$0x800];
	_ =	sdelay $0x4  }
0x42: {  	v62 =	vshll.u32 v3, $0x2  }
0x43: {  	v3 =	vand.u32 $0x7, v3;
	v4 =	vand.u32 $0xFFFFFFE0, v62  }
0x44: {  	v3 =	vor.u32 v3, v4  }
0x45: {  	v4 =	vperm.xlane v3, v0;
	_ =	sdelay $0x1  }
0x46: {  	v4 =	vadd.s32 v1, v4;
	_ =	sdelay $0x1  }
0x47: {  	v3 =	vperm.xlane v3, v2;
	_ =	sdelay $0x1  }
0x48: {  	v3 =	vadd.s32 v1, v3  }
0x49: {  	[tilespmem:s22], [sflag:$0x2] =	stream.indirect_vreg.gather [hbm4b:s4+s1], $0x80, v4, vm0, $0xb8;
	[tilespmem:$0x11000] =	vst v63  }
0x4a: {  	s13 =	simm.s32 $0x5800  }
0x4b: {  	[tilespmem:s13], [sflag:$0x2] =	stream.indirect_vreg.gather [hbm4b:s8+s1], $0x80, v4, vm0, $0xb8;
	[tilespmem:$0x11000] =	vst v63  }
0x4c: {  	s2 =	simm.s32 $0x6000  }
0x4d: {  	[tilespmem:s2], [sflag:$0x2] =	stream.indirect_vreg.gather [hbm4b:s4+s1], $0x80, v3, vm0, $0xb8;
	[tilespmem:$0x11000] =	vst v63  }
0x4e: {  	s5 =	simm.s32 $0x6800  }
0x4f: {  	[tilespmem:s5], [sflag:$0x2] =	stream.indirect_vreg.gather [hbm4b:s8+s1], $0x80, v3, vm0, $0xb8;
	[tilespmem:$0x11000] =	vst v63  }
0x50: {  	v3 =	vld [tilespmem:$0x810];
	_ =	sdelay $0x4  }
0x51: {  	v63 =	vshll.u32 v3, $0x2  }
0x52: {  	v3 =	vand.u32 $0x7, v3;
	v4 =	vand.u32 $0xFFFFFFE0, v63  }
0x53: {  	v3 =	vor.u32 v3, v4  }
0x54: {  	v4 =	vperm.xlane v3, v0;
	_ =	sdelay $0x1  }
0x55: {  	v4 =	vadd.s32 v1, v4;
	_ =	sdelay $0x2  }
0x56: {  	v3 =	vperm.xlane v3, v2  }
0x57: {  	s13 =	simm.s32 $0x7000  }
0x58: {  	v3 =	vadd.s32 v1, v3;
	[tilespmem:s13], [sflag:$0x2] =	stream.indirect_vreg.gather [hbm4b:s4+s1], $0x80, v4, vm0, $0xb8;
	[tilespmem:$0x11000] =	vst v63  }
0x59: {  	s2 =	simm.s32 $0x7800  }
0x5a: {  	[tilespmem:s2], [sflag:$0x2] =	stream.indirect_vreg.gather [hbm4b:s8+s1], $0x80, v4, vm0, $0xb8;
	[tilespmem:$0x11000] =	vst v63  }
.Ltmp2:
0x5b: {  	_ = 	snop;
	(pc) =	sbr.rel .LBB2_2-.Ltmp2, $4  }
0x5c: {  	s30 =	simm.s32 $0x850;
	s5 =	simm.s32 $0x8000  }
0x5d: {  	[tilespmem:s5], [sflag:$0x2] =	stream.indirect_vreg.gather [hbm4b:s4+s1], $0x80, v3, vm0, $0xb8;
	[tilespmem:$0x11000] =	vst v63  }
0x5e: {  	s0 =	simm.s32 $0x30;
	s13 =	simm.s32 $0x8800;
	s2 =	simm.s32 $0x0  }
0x5f: {  	[tilespmem:s13], [sflag:$0x2] =	stream.indirect_vreg.gather [hbm4b:s8+s1], $0x80, v3, vm0, $0xb8;
	[tilespmem:$0x11000] =	vst v63  }
.LBB2_4:
0x60: {  	_ =	swait.ge [sflag:s28], $0x4000  }
0x61: {  	[sflag:s28] =	ssyncset.done $0x0  }
0x62: {  	[sflag:s28] =	ssyncadd.s32 $0xFFFFC000  }
0x63: {  	_ =	swait.ge [sflag:s29], $0x4000  }
0x64: {  	[sflag:s29] =	ssyncset.done $0x0  }
0x65: {  	s13 =	sadd.s32 $0x800, s13;
	[sflag:s29] =	ssyncadd.s32 $0xFFFFC000  }
0x66: {  	[hbm4b:s13+s1] =	stream.linear.scatter [tilespmem:s31], [sflag:$0x5], $0x4000, $0x38;
	[tilespmem:$0x11000] =	vst v63  }
0x67: {  	s2 =	sadd.s32 $0x1000, s2;
	_ =	swait.ge [sflag:s12], $0x4000  }
0x68: {  	p0 =	sne.s32 s2, $0x20000;
	[sflag:s12] =	ssyncset.done $0x0  }
.Ltmp3:
0x69: {  	s5 =	sadd.s32 $0x800, s5;
	[sflag:s12] =	ssyncadd.s32 $0xFFFFC000;
	(pc) =	sbr.rel @!p0 .LBB2_5-.Ltmp3, $4  }
0x6a: {  	[hbm4b:s5+s1] =	stream.linear.scatter [tilespmem:s16], [sflag:$0x5], $0x4000, $0x38;
	[tilespmem:$0x11000] =	vst v63  }
0x6b: {  	_ =	swait.ge [sflag:s12], $0x4000  }
0x6c: {  	[sflag:s12] =	ssyncset.done $0x0  }
0x6d: {  	s30 =	sadd.s32 $0x40, s30;
	s0 =	sadd.s32 $0x40, s0;
	[sflag:s12] =	ssyncadd.s32 $0xFFFFC000  }
.LBB2_2:
0x6e: {  	v3 =	vld [tilespmem:s0+$0xFFFFFFF0];
	_ =	sdelay $0x4  }
0x6f: {  	v4 =	vshll.u32 v3, $0x2  }
0x70: {  	v3 =	vand.u32 $0x7, v3;
	v4 =	vand.u32 $0xFFFFFFE0, v4  }
0x71: {  	v3 =	vor.u32 v3, v4  }
0x72: {  	v4 =	vperm.xlane v3, v0;
	_ =	sdelay $0x1  }
0x73: {  	v4 =	vadd.s32 v1, v4;
	_ =	sdelay $0x1  }
0x74: {  	v3 =	vperm.xlane v3, v2;
	_ =	sdelay $0x1  }
0x75: {  	v3 =	vadd.s32 v1, v3  }
0x76: {  	[tilespmem:s31], [sflag:$0x3] =	stream.indirect_vreg.gather [hbm4b:s3+s1], $0x80, v4, vm0, $0xb8;
	[tilespmem:$0x11000] =	vst v63  }
0x77: {  	_ = 	snop  }
0x78: {  	[tilespmem:s6], [sflag:$0x3] =	stream.indirect_vreg.gather [hbm4b:s7+s1], $0x80, v4, vm0, $0xb8;
	[tilespmem:$0x11000] =	vst v63  }
0x79: {  	s5 =	simm.s32 $0xA000  }
0x7a: {  	[tilespmem:s5], [sflag:$0x3] =	stream.indirect_vreg.gather [hbm4b:s3+s1], $0x80, v3, vm0, $0xb8;
	[tilespmem:$0x11000] =	vst v63  }
0x7b: {  	s13 =	simm.s32 $0xA800  }
0x7c: {  	[tilespmem:s13], [sflag:$0x3] =	stream.indirect_vreg.gather [hbm4b:s7+s1], $0x80, v3, vm0, $0xb8;
	[tilespmem:$0x11000] =	vst v63  }
0x7d: {  	v3 =	vld [tilespmem:s0+$0x0];
	_ =	sdelay $0x4  }
0x7e: {  	v61 =	vshll.u32 v3, $0x2  }
0x7f: {  	v3 =	vand.u32 $0x7, v3;
	v4 =	vand.u32 $0xFFFFFFE0, v61  }
0x80: {  	v3 =	vor.u32 v3, v4  }
0x81: {  	v4 =	vperm.xlane v3, v0;
	_ =	sdelay $0x1  }
0x82: {  	v4 =	vadd.s32 v1, v4;
	_ =	sdelay $0x1  }
0x83: {  	v3 =	vperm.xlane v3, v2;
	_ =	sdelay $0x1  }
0x84: {  	s13 =	simm.s32 $0xB000;
	v3 =	vadd.s32 v1, v3  }
0x85: {  	[tilespmem:s13], [sflag:$0x3] =	stream.indirect_vreg.gather [hbm4b:s3+s1], $0x80, v4, vm0, $0xb8;
	[tilespmem:$0x11000] =	vst v63  }
0x86: {  	s13 =	simm.s32 $0xB800  }
0x87: {  	[tilespmem:s13], [sflag:$0x3] =	stream.indirect_vreg.gather [hbm4b:s7+s1], $0x80, v4, vm0, $0xb8;
	[tilespmem:$0x11000] =	vst v63  }
0x88: {  	_ = 	snop  }
0x89: {  	[tilespmem:s9], [sflag:$0x3] =	stream.indirect_vreg.gather [hbm4b:s3+s1], $0x80, v3, vm0, $0xb8;
	[tilespmem:$0x11000] =	vst v63  }
0x8a: {  	_ = 	snop  }
0x8b: {  	[tilespmem:s15], [sflag:$0x3] =	stream.indirect_vreg.gather [hbm4b:s7+s1], $0x80, v3, vm0, $0xb8;
	[tilespmem:$0x11000] =	vst v63  }
0x8c: {  	v3 =	vld [tilespmem:s30+$0xFFFFFFD0];
	_ =	sdelay $0x4  }
0x8d: {  	v62 =	vshll.u32 v3, $0x2  }
0x8e: {  	v3 =	vand.u32 $0x7, v3;
	v4 =	vand.u32 $0xFFFFFFE0, v62  }
0x8f: {  	v3 =	vor.u32 v3, v4  }
0x90: {  	v4 =	vperm.xlane v3, v0;
	_ =	sdelay $0x1  }
0x91: {  	v4 =	vadd.s32 v1, v4;
	_ =	sdelay $0x1  }
0x92: {  	v3 =	vperm.xlane v3, v2;
	_ =	sdelay $0x1  }
0x93: {  	v3 =	vadd.s32 v1, v3  }
0x94: {  	[tilespmem:s16], [sflag:$0x4] =	stream.indirect_vreg.gather [hbm4b:s4+s1], $0x80, v4, vm0, $0xb8;
	[tilespmem:$0x11000] =	vst v63  }
0x95: {  	_ = 	snop  }
0x96: {  	[tilespmem:s17], [sflag:$0x4] =	stream.indirect_vreg.gather [hbm4b:s8+s1], $0x80, v4, vm0, $0xb8;
	[tilespmem:$0x11000] =	vst v63  }
0x97: {  	_ = 	snop  }
0x98: {  	[tilespmem:s18], [sflag:$0x4] =	stream.indirect_vreg.gather [hbm4b:s4+s1], $0x80, v3, vm0, $0xb8;
	[tilespmem:$0x11000] =	vst v63  }
0x99: {  	_ = 	snop  }
0x9a: {  	[tilespmem:s19], [sflag:$0x4] =	stream.indirect_vreg.gather [hbm4b:s8+s1], $0x80, v3, vm0, $0xb8;
	[tilespmem:$0x11000] =	vst v63  }
0x9b: {  	v3 =	vld [tilespmem:s30+$0xFFFFFFE0];
	_ =	sdelay $0x4  }
0x9c: {  	v63 =	vshll.u32 v3, $0x2  }
0x9d: {  	v3 =	vand.u32 $0x7, v3;
	v4 =	vand.u32 $0xFFFFFFE0, v63  }
0x9e: {  	v3 =	vor.u32 v3, v4  }
0x9f: {  	v4 =	vperm.xlane v3, v0;
	_ =	sdelay $0x1  }
0xa0: {  	v4 =	vadd.s32 v1, v4;
	_ =	sdelay $0x1  }
0xa1: {  	v3 =	vperm.xlane v3, v2;
	_ =	sdelay $0x1  }
0xa2: {  	v3 =	vadd.s32 v1, v3  }
0xa3: {  	[tilespmem:s20], [sflag:$0x4] =	stream.indirect_vreg.gather [hbm4b:s4+s1], $0x80, v4, vm0, $0xb8;
	[tilespmem:$0x11000] =	vst v63  }
0xa4: {  	_ = 	snop  }
0xa5: {  	[tilespmem:s21], [sflag:$0x4] =	stream.indirect_vreg.gather [hbm4b:s8+s1], $0x80, v4, vm0, $0xb8;
	[tilespmem:$0x11000] =	vst v63  }
0xa6: {  	_ = 	snop  }
0xa7: {  	[tilespmem:s23], [sflag:$0x4] =	stream.indirect_vreg.gather [hbm4b:s4+s1], $0x80, v3, vm0, $0xb8;
	[tilespmem:$0x11000] =	vst v63  }
0xa8: {  	_ = 	snop  }
0xa9: {  	[tilespmem:s24], [sflag:$0x4] =	stream.indirect_vreg.gather [hbm4b:s8+s1], $0x80, v3, vm0, $0xb8;
	[tilespmem:$0x11000] =	vst v63  }
0xaa: {  	_ =	swait.ge [sflag:s25], $0x4000  }
0xab: {  	[sflag:s25] =	ssyncset.done $0x0  }
0xac: {  	[sflag:s25] =	ssyncadd.s32 $0xFFFFC000  }
0xad: {  	_ =	swait.ge [sflag:s26], $0x4000  }
0xae: {  	[sflag:s26] =	ssyncset.done $0x0  }
0xaf: {  	s13 =	sadd.s32 s2, s11;
	[sflag:s26] =	ssyncadd.s32 $0xFFFFC000  }
0xb0: {  	[hbm4b:s13+s1] =	stream.linear.scatter [tilespmem:s14], [sflag:$0x5], $0x4000, $0x38;
	[tilespmem:$0x11000] =	vst v63  }
0xb1: {  	_ =	swait.ge [sflag:s12], $0x4000  }
0xb2: {  	p0 =	seq.s32 s2, $0x1F000;
	[sflag:s12] =	ssyncset.done $0x0  }
.Ltmp4:
0xb3: {  	s5 =	sadd.s32 s2, s10;
	[sflag:s12] =	ssyncadd.s32 $0xFFFFC000;
	(pc) =	sbr.rel @p0 .LBB2_4-.Ltmp4, $4  }
0xb4: {  	[hbm4b:s5+s1] =	stream.linear.scatter [tilespmem:s22], [sflag:$0x5], $0x4000, $0x38;
	[tilespmem:$0x11000] =	vst v63  }
0xb5: {  	_ =	swait.ge [sflag:s12], $0x4000  }
0xb6: {  	[sflag:s12] =	ssyncset.done $0x0  }
0xb7: {  	[sflag:s12] =	ssyncadd.s32 $0xFFFFC000  }
0xb8: {  	v3 =	vld [tilespmem:s0+$0x10];
	_ =	sdelay $0x4  }
0xb9: {  	v4 =	vshll.u32 v3, $0x2  }
0xba: {  	v3 =	vand.u32 $0x7, v3;
	v4 =	vand.u32 $0xFFFFFFE0, v4  }
0xbb: {  	v3 =	vor.u32 v3, v4  }
0xbc: {  	v4 =	vperm.xlane v3, v0;
	_ =	sdelay $0x1  }
0xbd: {  	v4 =	vadd.s32 v1, v4;
	_ =	sdelay $0x1  }
0xbe: {  	v3 =	vperm.xlane v3, v2;
	_ =	sdelay $0x1  }
0xbf: {  	v3 =	vadd.s32 v1, v3  }
0xc0: {  	[tilespmem:s14], [sflag:$0x1] =	stream.indirect_vreg.gather [hbm4b:s3+s1], $0x80, v4, vm0, $0xb8;
	[tilespmem:$0x11000] =	vst v63  }
0xc1: {  	s6 =	simm.s32 $0x1800  }
0xc2: {  	[tilespmem:s6], [sflag:$0x1] =	stream.indirect_vreg.gather [hbm4b:s7+s1], $0x80, v4, vm0, $0xb8;
	[tilespmem:$0x11000] =	vst v63  }
0xc3: {  	s6 =	simm.s32 $0x2000  }
0xc4: {  	[tilespmem:s6], [sflag:$0x1] =	stream.indirect_vreg.gather [hbm4b:s3+s1], $0x80, v3, vm0, $0xb8;
	[tilespmem:$0x11000] =	vst v63  }
0xc5: {  	s6 =	simm.s32 $0x2800  }
0xc6: {  	[tilespmem:s6], [sflag:$0x1] =	stream.indirect_vreg.gather [hbm4b:s7+s1], $0x80, v3, vm0, $0xb8;
	[tilespmem:$0x11000] =	vst v63  }
0xc7: {  	v3 =	vld [tilespmem:s0+$0x20];
	_ =	sdelay $0x4  }
0xc8: {  	v61 =	vshll.u32 v3, $0x2  }
0xc9: {  	v3 =	vand.u32 $0x7, v3;
	v4 =	vand.u32 $0xFFFFFFE0, v61  }
0xca: {  	v3 =	vor.u32 v3, v4  }
0xcb: {  	v4 =	vperm.xlane v3, v0;
	_ =	sdelay $0x1  }
0xcc: {  	v4 =	vadd.s32 v1, v4;
	_ =	sdelay $0x1  }
0xcd: {  	v3 =	vperm.xlane v3, v2;
	_ =	sdelay $0x1  }
0xce: {  	s6 =	simm.s32 $0x3000;
	v3 =	vadd.s32 v1, v3  }
0xcf: {  	[tilespmem:s6], [sflag:$0x1] =	stream.indirect_vreg.gather [hbm4b:s3+s1], $0x80, v4, vm0, $0xb8;
	[tilespmem:$0x11000] =	vst v63  }
0xd0: {  	s6 =	simm.s32 $0x3800  }
0xd1: {  	[tilespmem:s6], [sflag:$0x1] =	stream.indirect_vreg.gather [hbm4b:s7+s1], $0x80, v4, vm0, $0xb8;
	[tilespmem:$0x11000] =	vst v63  }
0xd2: {  	s6 =	simm.s32 $0x4000  }
0xd3: {  	[tilespmem:s6], [sflag:$0x1] =	stream.indirect_vreg.gather [hbm4b:s3+s1], $0x80, v3, vm0, $0xb8;
	[tilespmem:$0x11000] =	vst v63  }
0xd4: {  	s6 =	simm.s32 $0x4800  }
0xd5: {  	[tilespmem:s6], [sflag:$0x1] =	stream.indirect_vreg.gather [hbm4b:s7+s1], $0x80, v3, vm0, $0xb8;
	[tilespmem:$0x11000] =	vst v63  }
0xd6: {  	v3 =	vld [tilespmem:s30+$0xFFFFFFF0];
	_ =	sdelay $0x4  }
0xd7: {  	v62 =	vshll.u32 v3, $0x2  }
0xd8: {  	v3 =	vand.u32 $0x7, v3;
	v4 =	vand.u32 $0xFFFFFFE0, v62  }
0xd9: {  	v3 =	vor.u32 v3, v4  }
0xda: {  	v4 =	vperm.xlane v3, v0;
	_ =	sdelay $0x1  }
0xdb: {  	v4 =	vadd.s32 v1, v4;
	_ =	sdelay $0x1  }
0xdc: {  	v3 =	vperm.xlane v3, v2;
	_ =	sdelay $0x1  }
0xdd: {  	v3 =	vadd.s32 v1, v3  }
0xde: {  	[tilespmem:s22], [sflag:$0x2] =	stream.indirect_vreg.gather [hbm4b:s4+s1], $0x80, v4, vm0, $0xb8;
	[tilespmem:$0x11000] =	vst v63  }
0xdf: {  	s6 =	simm.s32 $0x5800  }
0xe0: {  	[tilespmem:s6], [sflag:$0x2] =	stream.indirect_vreg.gather [hbm4b:s8+s1], $0x80, v4, vm0, $0xb8;
	[tilespmem:$0x11000] =	vst v63  }
0xe1: {  	s6 =	simm.s32 $0x6000  }
0xe2: {  	[tilespmem:s6], [sflag:$0x2] =	stream.indirect_vreg.gather [hbm4b:s4+s1], $0x80, v3, vm0, $0xb8;
	[tilespmem:$0x11000] =	vst v63  }
0xe3: {  	s6 =	simm.s32 $0x6800  }
0xe4: {  	[tilespmem:s6], [sflag:$0x2] =	stream.indirect_vreg.gather [hbm4b:s8+s1], $0x80, v3, vm0, $0xb8;
	[tilespmem:$0x11000] =	vst v63  }
0xe5: {  	v3 =	vld [tilespmem:s30+$0x0];
	_ =	sdelay $0x4  }
0xe6: {  	v63 =	vshll.u32 v3, $0x2  }
0xe7: {  	v3 =	vand.u32 $0x7, v3;
	v4 =	vand.u32 $0xFFFFFFE0, v63  }
0xe8: {  	v3 =	vor.u32 v3, v4  }
0xe9: {  	v4 =	vperm.xlane v3, v0;
	_ =	sdelay $0x1  }
0xea: {  	v4 =	vadd.s32 v1, v4;
	_ =	sdelay $0x1  }
0xeb: {  	v3 =	vperm.xlane v3, v2;
	_ =	sdelay $0x1  }
0xec: {  	s6 =	simm.s32 $0x7000;
	v3 =	vadd.s32 v1, v3  }
0xed: {  	[tilespmem:s6], [sflag:$0x2] =	stream.indirect_vreg.gather [hbm4b:s4+s1], $0x80, v4, vm0, $0xb8;
	[tilespmem:$0x11000] =	vst v63  }
0xee: {  	s6 =	simm.s32 $0x7800  }
0xef: {  	[tilespmem:s6], [sflag:$0x2] =	stream.indirect_vreg.gather [hbm4b:s8+s1], $0x80, v4, vm0, $0xb8;
	[tilespmem:$0x11000] =	vst v63  }
.Ltmp5:
0xf0: {  	s6 =	simm.s32 $0x8000;
	(pc) =	sbr.rel .LBB2_4-.Ltmp5, $4  }
0xf1: {  	[tilespmem:s6], [sflag:$0x2] =	stream.indirect_vreg.gather [hbm4b:s4+s1], $0x80, v3, vm0, $0xb8;
	[tilespmem:$0x11000] =	vst v63  }
0xf2: {  	s6 =	simm.s32 $0x8800  }
0xf3: {  	[tilespmem:s6], [sflag:$0x2] =	stream.indirect_vreg.gather [hbm4b:s8+s1], $0x80, v3, vm0, $0xb8;
	[tilespmem:$0x11000] =	vst v63  }
0xf4: {  	s6 =	simm.s32 $0x9800  }
.LBB2_6:
0xf5: {  	_ =	sfence.sel $0x180000  }
0xf6: {  	[bflag:$0x0] =	sbarrier.arrive $0xFFFF  }
0xf7: {  	_ =	strace $0x90000047  }
0xf8: {  	s0 =	stileid.u32;
	[bflag:$0x2] =	sbarrier.arrive $0xFFFF  }
0xf9: {  	p0 =	sne.s32 s0, $0x0;
	s0 =	rddreg [dreg:$0x3]  }
0xfa: {  	s0 =	sadd.s32 @!p0 $0x100000, s0  }
0xfb: {  	[sflag:s0] =	ssyncadd.tile.s32 @!p0 $0x1;
	_ =	shalt  }
.Lfunc_end2:
_tile_overlayer_lowered:
.L_overlay_start_2:
0xfc: {  	(tag) =	ssettag $0x2  }
0xfd: {  	s0 =	rddreg [dreg:$0x0];
	s2 =	stileid.u32  }
0xfe: {  	s1 =	rddreg [dreg:$0x1];
	p0 =	sne.s32 s2, $0x0  }
0xff: {  	s3 =	rddreg [dreg:$0x2];
	[bflag:$0x3] =	sbarrier.arrive $0xFFFF;
	s2 =	simm.s32 @!p0 $0x1C05  }
0x100: {  	[timem:s3], [sflag:s2] =	dma.local @!p0 [hbm:s0], s1  }
0x101: {  	s0 =	simm.s32 @!p0 $0x5  }
0x102: {  	_ =	swait.ge @!p0 [sflag:s0], s1  }
0x103: {  	s1 =	ssub.s32 @!p0 $0x0, s1;
	[sflag:s0] =	ssyncset.done @!p0 $0x0  }
0x104: {  	[sflag:s0] =	ssyncadd.s32 @!p0 s1  }
0x105: {  	[bflag:$0x3] =	sbarrier.arrive $0xFFFF  }
0x106: {  	_ =	shalt  }

</sc_bundles>
